<compile_context>
chip_gen: v7x
topology: tpu7x:2x2x1
jax: 0.10.2.dev20260603
libtpu: 0.0.44.dev20260713+nightly
codegen_flags: <defaults>
</compile_context>

<pallas_src>
import functools

import jax
import jax.numpy as jnp
from jax import lax
from jax.experimental import pallas as pl
from jax.experimental.pallas import tpu as pltpu
from jax.experimental.pallas import tpu_sc as plsc

NUM_EMBEDDINGS = 1000000
D = 32
PADDING_IDX = 0

_INFO = plsc.get_sparse_core_info()
NC = _INFO.num_cores
NS = _INFO.num_subcores
L = _INFO.num_lanes
NW = NC * NS

S = 200
BB = 16384
S_HI, S_LO = S // 8, 8
B_HI, B_LO = BB // 128, 128
C_HI, C_LO = D // 8, 8
K = S_LO * B_LO
Q = C_LO * B_LO

BH_PER_W = B_HI // NW
NSB = S_HI * BH_PER_W

_IGNORE = 7


@functools.partial(
    pl.kernel,
    out_type=(
        jax.ShapeDtypeStruct((S, C_HI, B_HI, C_LO, B_LO), jnp.float32),
        jax.ShapeDtypeStruct((NC, D), jnp.float32),
    ),
    mesh=plsc.VectorSubcoreMesh(core_axis_name="c", subcore_axis_name="s"),
    scratch_types=[
        pltpu.VMEM((K,), jnp.int32),
        pltpu.VMEM((K,), jnp.int32),
        pltpu.VMEM((K,), jnp.int32),
        pltpu.VMEM((K,), jnp.int32),
        pltpu.VMEM((K, D), jnp.float32),
        pltpu.VMEM((K, D), jnp.float32),
        pltpu.VMEM((S_LO * C_HI * C_LO, B_LO + 1), jnp.float32),
        pltpu.SemaphoreType.DMA,
        pltpu.SemaphoreType.DMA,
        pltpu.SemaphoreType.DMA,
        pltpu.SemaphoreType.DMA,
        pltpu.SemaphoreType.DMA,
    ],
    compiler_params=pltpu.CompilerParams(
        use_tc_tiling_on_sc=False, needs_layout_passes=False,
        disable_bounds_checks=True),
)
def _gather_kernel(idx3_hbm, table_hbm, out_hbm, zeros_hbm,
                   ibuf0, ibuf1, zbuf0, zbuf1, rows0, rows1, cbuf,
                   si0, si1, sg0, sg1, so):
    cid = lax.axis_index("c")
    sid = lax.axis_index("s")
    wid = sid * NC + cid

    ibufs, zbufs, rowss = (ibuf0, ibuf1), (zbuf0, zbuf1), (rows0, rows1)
    sis, sgs = (si0, si1), (sg0, sg1)

    def sb_coords(t):
        return t // BH_PER_W, wid * BH_PER_W + t % BH_PER_W

    def idx_start(t, b):
        s_hi, b_hi = sb_coords(t)
        pltpu.async_copy(idx3_hbm.at[s_hi, b_hi], ibufs[b], sis[b])

    def idx_wait(t, b):
        s_hi, b_hi = sb_coords(t)
        pltpu.make_async_copy(idx3_hbm.at[s_hi, b_hi], ibufs[b],
                              sis[b]).wait()

    def build_zbuf(b):
        ibuf, zbuf = ibufs[b], zbufs[b]

        def body(i, _):
            for k in range(4):
                sl = pl.ds((i * 4 + k) * L, L)
                v = ibuf[sl]
                zbuf[sl] = jnp.where(
                    v == PADDING_IDX, cid, _IGNORE).astype(jnp.int32)
            return 0

        lax.fori_loop(0, K // L // 4, body, 0)

    def gathers_start(b):
        pltpu.async_copy(
            table_hbm.at[plsc.Indices(ibufs[b], ignored_value=PADDING_IDX)],
            rowss[b], sgs[b])
        pltpu.async_copy(
            zeros_hbm.at[plsc.Indices(zbufs[b], ignored_value=_IGNORE)],
            rowss[b], sgs[b])

    def gathers_wait(b):
        pltpu.make_async_copy(
            table_hbm.at[plsc.Indices(ibufs[b], ignored_value=PADDING_IDX)],
            rowss[b], sgs[b]).wait()
        pltpu.make_async_copy(
            zeros_hbm.at[plsc.Indices(zbufs[b], ignored_value=_IGNORE)],
            rowss[b], sgs[b]).wait()

    SK = B_LO + 1
    ST_CLO = SK
    ST_CHI = C_LO * SK
    ST_SLO = C_HI * ST_CHI

    def out_slices(t, i):
        s_hi, b_hi = sb_coords(t)
        s_lo, c_hi = i // C_HI, i % C_HI
        src = cbuf.at[pl.ds(i * C_LO, C_LO), pl.ds(0, B_LO)]
        dst = out_hbm.at[s_hi * S_LO + s_lo, c_hi, b_hi]
        return src, dst

    def out_wait(t):
        def body(i, _):
            src, dst = out_slices(t, i)
            pltpu.make_async_copy(src, dst, so).wait()
            return 0

        lax.fori_loop(0, S_LO * C_HI, body, 0)

    def _chi(h):
        c = 16 * h + lax.iota(jnp.int32, L)
        return c // C_LO

    _clo = lax.iota(jnp.int32, L) % C_LO

    def transpose_out(t, b):
        rows = rowss[b]
        row0 = _chi(0) * C_LO + _clo
        row1 = _chi(1) * C_LO + _clo
        one = jnp.full((L,), 1, jnp.int32)

        def sbody(s_lo, _):
            sbase = jnp.full((L,), s_lo * D, jnp.int32)
            r0 = row0 + sbase
            r1 = row1 + sbase

            def kbody(i, bvec):
                for u in range(8):
                    kk = s_lo * B_LO + i * 8 + u
                    plsc.store_scatter(cbuf, [r0, bvec],
                                       rows[kk, pl.ds(0, L)])
                    plsc.store_scatter(cbuf, [r1, bvec],
                                       rows[kk, pl.ds(L, L)])
                    bvec = bvec + one
                return bvec

            lax.fori_loop(0, B_LO // 8, kbody, lax.iota(jnp.int32, L) * 0)

            def obody(c_hi, _):
                src, dst = out_slices(t, s_lo * C_HI + c_hi)
                pltpu.async_copy(src, dst, so)
                return 0

            lax.fori_loop(0, C_HI, obody, 0)
            return 0

        lax.fori_loop(0, S_LO, sbody, 0)

    idx_start(0, 0)

    @pl.when(sid == 0)
    def _init_zero_row():
        zvec = jnp.zeros((L,), jnp.float32)
        for k in range(D // L):
            rows0[0, pl.ds(k * L, L)] = zvec
        pltpu.sync_copy(rows0.at[pl.ds(0, 1)], zeros_hbm.at[pl.ds(cid, 1)])

    plsc.subcore_barrier()

    idx_wait(0, 0)
    build_zbuf(0)
    gathers_start(0)
    idx_start(1, 1)

    def iteration(t, b):
        ob = 1 - b

        @pl.when(t < NSB - 1)
        def _prep_next():
            idx_wait(t + 1, ob)
            build_zbuf(ob)
            gathers_start(ob)

        gathers_wait(b)

        @pl.when(t < NSB - 2)
        def _prefetch_idx():
            idx_start(t + 2, b)

        @pl.when(t >= 1)
        def _drain_prev_out():
            out_wait(t - 1)

        transpose_out(t, b)
        return 0

    def loop_body(i, _):
        iteration(2 * i, 0)
        iteration(2 * i + 1, 1)
        return 0

    lax.fori_loop(0, NSB // 2, loop_body, 0)
    out_wait(NSB - 1)


def kernel(idx, embeddings):
    idx3 = jnp.transpose(
        jnp.transpose(idx, (1, 0)).reshape(S_HI, S_LO, B_HI, B_LO),
        (0, 2, 1, 3)).reshape(S_HI, B_HI, K).astype(jnp.int32)
    out5, _ = _gather_kernel(idx3, embeddings)
    return jnp.transpose(out5, (2, 4, 0, 1, 3)).reshape(BB, S, D)

# --- scband reference (transcript-rebuilt; emitter-appended) ---
"""Pipeline reference for scband-embedding-padded-31413390803691 (READ-ONLY COPY).

The authoritative reference and input builder live on the scoring server;
editing this copy changes nothing except your own understanding.
"""

import jax, jax.numpy as jnp
import numpy as np

NUM_EMBEDDINGS = 1000000
EMBEDDING_DIM = 32
PADDING_IDX = 0


def setup_inputs(seed: int = 0) -> dict:
    key = jax.random.key(seed)
    k1, k2 = jax.random.split(key)
    idx = jax.random.randint(k1, (16384, 200), 0, NUM_EMBEDDINGS)
    # learned parameter: embedding table (tools.initialize_embeddings ~ small random init)
    embeddings = jax.random.normal(k2, (NUM_EMBEDDINGS, EMBEDDING_DIM), dtype=jnp.float32) * 0.02
    return {"idx": idx, "embeddings": embeddings}


def reference(idx, embeddings):
    # padding_mult buffer: ones with a zero row at padding_idx
    padding_mult = jnp.ones((NUM_EMBEDDINGS, 1), dtype=jnp.float32).at[PADDING_IDX].set(0.0)
    embeddings_zeroed = embeddings * padding_mult
    # F.embedding -> gather rows
    x = jnp.take(embeddings_zeroed, idx, axis=0)
    return x

if __name__ == "__main__":
    import jax
    _d = setup_inputs()
    print(jax.jit(kernel)(*tuple(_d.values())))

</pallas_src>

<mosaic_0001>
#map = affine_map<(d0, d1) -> (0, 0, 0)>
#map1 = affine_map<(d0, d1) -> (0, 0)>
#map2 = affine_map<(d0, d1) -> (0, 0, 0, 0, 0)>
module attributes {stable_mosaic.version = 14 : i64} {
  func.func @_gather_kernel(%arg0: i32, %arg1: i32, %arg2: memref<25x128x1024xi32, #tpu.memory_space<hbm>>, %arg3: memref<1000000x32xf32, #tpu.memory_space<hbm>>, %arg4: memref<200x4x128x8x128xf32, #tpu.memory_space<hbm>>, %arg5: memref<2x32xf32, #tpu.memory_space<hbm>>, %arg6: memref<1024xi32, #tpu.memory_space<vmem>>, %arg7: memref<1024xi32, #tpu.memory_space<vmem>>, %arg8: memref<1024xi32, #tpu.memory_space<vmem>>, %arg9: memref<1024xi32, #tpu.memory_space<vmem>>, %arg10: memref<1024x32xf32, #tpu.memory_space<vmem>>, %arg11: memref<1024x32xf32, #tpu.memory_space<vmem>>, %arg12: memref<256x129xf32, #tpu.memory_space<vmem>>, %arg13: memref<!tpu.dma_semaphore, #tpu.memory_space<semaphore_mem>>, %arg14: memref<!tpu.dma_semaphore, #tpu.memory_space<semaphore_mem>>, %arg15: memref<!tpu.dma_semaphore, #tpu.memory_space<semaphore_mem>>, %arg16: memref<!tpu.dma_semaphore, #tpu.memory_space<semaphore_mem>>, %arg17: memref<!tpu.dma_semaphore, #tpu.memory_space<semaphore_mem>>) attributes {dimension_semantics = [#tpu.dimension_semantics<core_parallel>, #tpu.dimension_semantics<subcore_parallel>], iteration_bounds = array<i64: 2, 16>, scalar_prefetch = 0 : i64, scratch_operands = 12 : i64, tpu.core_type = #tpu.core_type<sc_vector_subcore>, window_params = [{transform_indices = #map}, {transform_indices = #map1}, {transform_indices = #map2}, {transform_indices = #map1}]} {
    %mul3A = arith.constant 2 : i32
    %mul3A_0 = arith.muli %arg1, %mul3A : i32
    %add3A = arith.addi %mul3A_0, %arg0 : i32
    %iota3A = tpu.iota {dimensions = array<i32: 0>} : vector<16xi32>
    %jit3A = arith.constant 8 : i32
    %eq3A = arith.constant 0 : i32
    %eq3A_1 = arith.cmpi eq, %jit3A, %eq3A : i32
    %jit3A_2 = arith.constant 1 : i32
    %select_n3A = arith.select %eq3A_1, %jit3A_2, %jit3A : i32
    %rem3A = vector.broadcast %select_n3A : i32 to vector<16xi32>
    %rem3A_3 = arith.remsi %iota3A, %rem3A : vector<16xi32>
    %ne3A = arith.constant 0 : i32
    %ne3A_4 = vector.broadcast %ne3A : i32 to vector<16xi32>
    %ne3A_5 = arith.cmpi ne, %rem3A_3, %ne3A_4 : vector<16xi32>
    %lt3A = arith.constant 0 : i32
    %lt3A_6 = vector.broadcast %lt3A : i32 to vector<16xi32>
    %lt3A_7 = arith.cmpi slt, %rem3A_3, %lt3A_6 : vector<16xi32>
    %lt3A_8 = arith.constant 0 : i32
    %lt3A_9 = arith.cmpi slt, %select_n3A, %lt3A_8 : i32
    %ne3A_10 = vector.broadcast %lt3A_9 : i1 to vector<16xi1>
    %ne3A_11 = vector.broadcast %ne3A_10 : vector<16xi1> to vector<16xi1>
    %ne3A_12 = arith.xori %lt3A_7, %ne3A_11 : vector<16xi1>
    %and3A = arith.andi %ne3A_12, %ne3A_5 : vector<16xi1>
    %add3A_13 = vector.broadcast %select_n3A : i32 to vector<16xi32>
    %add3A_14 = arith.addi %rem3A_3, %add3A_13 : vector<16xi32>
    %select_n3A_15 = arith.select %and3A, %add3A_14, %rem3A_3 : vector<16xi1>, vector<16xi32>
    %mul3A_16 = arith.constant 4 : i32
    %mul3A_17 = arith.muli %add3A, %mul3A_16 : i32
    %add3A_18 = arith.constant 0 : i32
    %add3A_19 = arith.addi %mul3A_17, %add3A_18 : i32
    %dma_start3A = arith.constant 0 : i32
    %dma_start3A_20 = arith.constant 0 : i32
    %dma_start3A_21 = tpu.memref_slice %arg2[%dma_start3A, %add3A_19, %dma_start3A_20] : memref<25x128x1024xi32, #tpu.memory_space<hbm>> -> memref<1x1x1024xi32, #tpu.memory_space<hbm>>
    %dma_start3A_22 = tpu.memref_squeeze %dma_start3A_21 : memref<1x1x1024xi32, #tpu.memory_space<hbm>> -> memref<1024xi32, #tpu.memory_space<hbm>>
    %dma_start3A_23 = arith.constant 0 : i32
    %dma_start3A_24 = tpu.memref_slice %arg2[%dma_start3A, %add3A_19, %dma_start3A_23] : memref<25x128x1024xi32, #tpu.memory_space<hbm>> -> memref<1x1x1024xi32, #tpu.memory_space<hbm>>
    %dma_start3A_25 = tpu.memref_squeeze %dma_start3A_24 : memref<1x1x1024xi32, #tpu.memory_space<hbm>> -> memref<1024xi32, #tpu.memory_space<hbm>>
    tpu.enqueue_dma source(%dma_start3A_25 : memref<1024xi32, #tpu.memory_space<hbm>>) target(%arg6 : memref<1024xi32, #tpu.memory_space<vmem>>) target_semaphore(%arg13 : memref<!tpu.dma_semaphore, #tpu.memory_space<semaphore_mem>>)
    %eq3A_26 = arith.constant 0 : i32
    %eq3A_27 = arith.cmpi eq, %arg1, %eq3A_26 : i32
    %convert_element_type3A = arith.extui %eq3A_27 : i1 to i32
    %cond3A = arith.constant 0 : i32
    %cond3A_28 = arith.cmpi ne, %convert_element_type3A, %cond3A : i32
    scf.if %cond3A_28 {
      %broadcast_in_dim3A = arith.constant 0.000000e+00 : f32
      %broadcast_in_dim3A_78 = vector.broadcast %broadcast_in_dim3A : f32 to vector<16xf32>
      %swap3A = arith.constant 0 : i32
      %swap3A_79 = arith.index_cast %swap3A : i32 to index
      %swap3A_80 = arith.constant 0 : index
      %swap3A_81 = tpu.vector_load %arg10[%swap3A_79, %swap3A_80] {strides = array<i32>} : memref<1024x32xf32, #tpu.memory_space<vmem>>, vector<16xf32>,
      tpu.vector_store %arg10[%swap3A_79, %swap3A_80], %broadcast_in_dim3A_78 {strides = array<i32>} : memref<1024x32xf32, #tpu.memory_space<vmem>>, vector<16xf32>,
      %swap3A_82 = arith.constant 0 : i32
      %swap3A_83 = arith.index_cast %swap3A_82 : i32 to index
      %swap3A_84 = arith.constant 16 : index
      %swap3A_85 = tpu.vector_load %arg10[%swap3A_83, %swap3A_84] {strides = array<i32>} : memref<1024x32xf32, #tpu.memory_space<vmem>>, vector<16xf32>,
      tpu.vector_store %arg10[%swap3A_83, %swap3A_84], %broadcast_in_dim3A_78 {strides = array<i32>} : memref<1024x32xf32, #tpu.memory_space<vmem>>, vector<16xf32>,
      "tpu.region"() ({
        %run_scoped3A = tpu.sem_alloc : memref<!tpu.dma_semaphore, #tpu.memory_space<semaphore_mem>>
        %dma_start3A_86 = arith.constant 0 : i32
        %dma_start3A_87 = arith.constant 0 : i32
        %dma_start3A_88 = tpu.memref_slice %arg10[%dma_start3A_86, %dma_start3A_87] : memref<1024x32xf32, #tpu.memory_space<vmem>> -> memref<1x32xf32, #tpu.memory_space<vmem>>
        %dma_start3A_89 = arith.constant 0 : i32
        %dma_start3A_90 = tpu.memref_slice %arg5[%arg0, %dma_start3A_89] : memref<2x32xf32, #tpu.memory_space<hbm>> -> memref<1x32xf32, #tpu.memory_space<hbm>>
        %dma_start3A_91 = arith.constant 0 : i32
        %dma_start3A_92 = tpu.memref_slice %arg5[%arg0, %dma_start3A_91] : memref<2x32xf32, #tpu.memory_space<hbm>> -> memref<1x32xf32, #tpu.memory_space<hbm>>
        %dma_start3A_93 = arith.constant 0 : i32
        %dma_start3A_94 = arith.constant 0 : i32
        %dma_start3A_95 = tpu.memref_slice %arg10[%dma_start3A_93, %dma_start3A_94] : memref<1024x32xf32, #tpu.memory_space<vmem>> -> memref<1x32xf32, #tpu.memory_space<vmem>>
        tpu.enqueue_dma source(%dma_start3A_95 : memref<1x32xf32, #tpu.memory_space<vmem>>) target(%dma_start3A_92 : memref<1x32xf32, #tpu.memory_space<hbm>>) target_semaphore(%run_scoped3A : memref<!tpu.dma_semaphore, #tpu.memory_space<semaphore_mem>>)
        %dma_wait3A_96 = arith.constant 0 : i32
        %dma_wait3A_97 = arith.constant 0 : i32
        %dma_wait3A_98 = tpu.memref_slice %arg10[%dma_wait3A_96, %dma_wait3A_97] : memref<1024x32xf32, #tpu.memory_space<vmem>> -> memref<1x32xf32, #tpu.memory_space<vmem>>
        %dma_wait3A_99 = arith.constant 0 : i32
        %dma_wait3A_100 = tpu.memref_slice %arg5[%arg0, %dma_wait3A_99] : memref<2x32xf32, #tpu.memory_space<hbm>> -> memref<1x32xf32, #tpu.memory_space<hbm>>
        %dma_wait3A_101 = arith.constant 0 : i32
        %dma_wait3A_102 = tpu.memref_slice %arg5[%arg0, %dma_wait3A_101] : memref<2x32xf32, #tpu.memory_space<hbm>> -> memref<1x32xf32, #tpu.memory_space<hbm>>
        %dma_wait3A_103 = arith.constant 0 : i32
        %dma_wait3A_104 = arith.constant 0 : i32
        %dma_wait3A_105 = tpu.memref_slice %arg10[%dma_wait3A_103, %dma_wait3A_104] : memref<1024x32xf32, #tpu.memory_space<vmem>> -> memref<1x32xf32, #tpu.memory_space<vmem>>
        tpu.wait_dma2 semaphore(%run_scoped3A : memref<!tpu.dma_semaphore, #tpu.memory_space<semaphore_mem>>) src(%dma_wait3A_105 : memref<1x32xf32, #tpu.memory_space<vmem>>) dst(%dma_wait3A_102 : memref<1x32xf32, #tpu.memory_space<hbm>>)
        tpu.yield
      }) : () -> ()
    } else {
    }
    %barrier3A = arith.constant 0 : index
    tpu.barrier barrier_id(%barrier3A)
    %mul3A_29 = arith.constant 4 : i32
    %mul3A_30 = arith.muli %add3A, %mul3A_29 : i32
    %add3A_31 = arith.constant 0 : i32
    %add3A_32 = arith.addi %mul3A_30, %add3A_31 : i32
    %dma_wait3A = arith.constant 0 : i32
    %dma_wait3A_33 = arith.constant 0 : i32
    %dma_wait3A_34 = tpu.memref_slice %arg2[%dma_wait3A, %add3A_32, %dma_wait3A_33] : memref<25x128x1024xi32, #tpu.memory_space<hbm>> -> memref<1x1x1024xi32, #tpu.memory_space<hbm>>
    %dma_wait3A_35 = tpu.memref_squeeze %dma_wait3A_34 : memref<1x1x1024xi32, #tpu.memory_space<hbm>> -> memref<1024xi32, #tpu.memory_space<hbm>>
    %dma_wait3A_36 = arith.constant 0 : i32
    %dma_wait3A_37 = tpu.memref_slice %arg2[%dma_wait3A, %add3A_32, %dma_wait3A_36] : memref<25x128x1024xi32, #tpu.memory_space<hbm>> -> memref<1x1x1024xi32, #tpu.memory_space<hbm>>
    %dma_wait3A_38 = tpu.memref_squeeze %dma_wait3A_37 : memref<1x1x1024xi32, #tpu.memory_space<hbm>> -> memref<1024xi32, #tpu.memory_space<hbm>>
    tpu.wait_dma2 semaphore(%arg13 : memref<!tpu.dma_semaphore, #tpu.memory_space<semaphore_mem>>) src(%dma_wait3A_38 : memref<1024xi32, #tpu.memory_space<hbm>>) dst(%arg6 : memref<1024xi32, #tpu.memory_space<vmem>>)
    %scan3A = arith.constant 0 : i32
    %scan3A_39 = arith.constant 0 : i32
    %scan3A_40 = arith.constant 16 : i32
    %scan3A_41 = arith.addi %scan3A_39, %scan3A_40 : i32
    %scan3A_42 = arith.constant 1 : i32
    %scan3A_43 = scf.for %scan3A_78 = %scan3A_39 to %scan3A_41 step %scan3A_42 iter_args(%scan3A_79 = %scan3A) -> (i32)  : i32 {
      %mul3A_80 = arith.constant 4 : i32
      %mul3A_81 = arith.muli %scan3A_78, %mul3A_80 : i32
      %add3A_82 = arith.constant 0 : i32
      %add3A_83 = arith.addi %mul3A_81, %add3A_82 : i32
      %mul3A_84 = arith.constant 16 : i32
      %mul3A_85 = arith.muli %add3A_83, %mul3A_84 : i32
      %get3A = arith.index_cast %mul3A_85 : i32 to index
      %get3A_86 = tpu.vector_load %arg6[%get3A] {strides = array<i32>} : memref<1024xi32, #tpu.memory_space<vmem>>, vector<16xi32>,
      %eq3A_87 = arith.constant 0 : i32
      %eq3A_88 = vector.broadcast %eq3A_87 : i32 to vector<16xi32>
      %eq3A_89 = arith.cmpi eq, %get3A_86, %eq3A_88 : vector<16xi32>
      %jit3A_90 = arith.constant 7 : i32
      %broadcast_in_dim3A = vector.broadcast %arg0 : i32 to vector<16xi32>
      %broadcast_in_dim3A_91 = vector.broadcast %jit3A_90 : i32 to vector<16xi32>
      %select_n3A_92 = arith.select %eq3A_89, %broadcast_in_dim3A, %broadcast_in_dim3A_91 : vector<16xi1>, vector<16xi32>
      %swap3A = arith.index_cast %mul3A_85 : i32 to index
      %swap3A_93 = tpu.vector_load %arg8[%swap3A] {strides = array<i32>} : memref<1024xi32, #tpu.memory_space<vmem>>, vector<16xi32>,
      tpu.vector_store %arg8[%swap3A], %select_n3A_92 {strides = array<i32>} : memref<1024xi32, #tpu.memory_space<vmem>>, vector<16xi32>,
      %mul3A_94 = arith.constant 4 : i32
      %mul3A_95 = arith.muli %scan3A_78, %mul3A_94 : i32
      %add3A_96 = arith.constant 1 : i32
      %add3A_97 = arith.addi %mul3A_95, %add3A_96 : i32
      %mul3A_98 = arith.constant 16 : i32
      %mul3A_99 = arith.muli %add3A_97, %mul3A_98 : i32
      %get3A_100 = arith.index_cast %mul3A_99 : i32 to index
      %get3A_101 = tpu.vector_load %arg6[%get3A_100] {strides = array<i32>} : memref<1024xi32, #tpu.memory_space<vmem>>, vector<16xi32>,
      %eq3A_102 = arith.constant 0 : i32
      %eq3A_103 = vector.broadcast %eq3A_102 : i32 to vector<16xi32>
      %eq3A_104 = arith.cmpi eq, %get3A_101, %eq3A_103 : vector<16xi32>
      %jit3A_105 = arith.constant 7 : i32
      %broadcast_in_dim3A_106 = vector.broadcast %arg0 : i32 to vector<16xi32>
      %broadcast_in_dim3A_107 = vector.broadcast %jit3A_105 : i32 to vector<16xi32>
      %select_n3A_108 = arith.select %eq3A_104, %broadcast_in_dim3A_106, %broadcast_in_dim3A_107 : vector<16xi1>, vector<16xi32>
      %swap3A_109 = arith.index_cast %mul3A_99 : i32 to index
      %swap3A_110 = tpu.vector_load %arg8[%swap3A_109] {strides = array<i32>} : memref<1024xi32, #tpu.memory_space<vmem>>, vector<16xi32>,
      tpu.vector_store %arg8[%swap3A_109], %select_n3A_108 {strides = array<i32>} : memref<1024xi32, #tpu.memory_space<vmem>>, vector<16xi32>,
      %mul3A_111 = arith.constant 4 : i32
      %mul3A_112 = arith.muli %scan3A_78, %mul3A_111 : i32
      %add3A_113 = arith.constant 2 : i32
      %add3A_114 = arith.addi %mul3A_112, %add3A_113 : i32
      %mul3A_115 = arith.constant 16 : i32
      %mul3A_116 = arith.muli %add3A_114, %mul3A_115 : i32
      %get3A_117 = arith.index_cast %mul3A_116 : i32 to index
      %get3A_118 = tpu.vector_load %arg6[%get3A_117] {strides = array<i32>} : memref<1024xi32, #tpu.memory_space<vmem>>, vector<16xi32>,
      %eq3A_119 = arith.constant 0 : i32
      %eq3A_120 = vector.broadcast %eq3A_119 : i32 to vector<16xi32>
      %eq3A_121 = arith.cmpi eq, %get3A_118, %eq3A_120 : vector<16xi32>
      %jit3A_122 = arith.constant 7 : i32
      %broadcast_in_dim3A_123 = vector.broadcast %arg0 : i32 to vector<16xi32>
      %broadcast_in_dim3A_124 = vector.broadcast %jit3A_122 : i32 to vector<16xi32>
      %select_n3A_125 = arith.select %eq3A_121, %broadcast_in_dim3A_123, %broadcast_in_dim3A_124 : vector<16xi1>, vector<16xi32>
      %swap3A_126 = arith.index_cast %mul3A_116 : i32 to index
      %swap3A_127 = tpu.vector_load %arg8[%swap3A_126] {strides = array<i32>} : memref<1024xi32, #tpu.memory_space<vmem>>, vector<16xi32>,
      tpu.vector_store %arg8[%swap3A_126], %select_n3A_125 {strides = array<i32>} : memref<1024xi32, #tpu.memory_space<vmem>>, vector<16xi32>,
      %mul3A_128 = arith.constant 4 : i32
      %mul3A_129 = arith.muli %scan3A_78, %mul3A_128 : i32
      %add3A_130 = arith.constant 3 : i32
      %add3A_131 = arith.addi %mul3A_129, %add3A_130 : i32
      %mul3A_132 = arith.constant 16 : i32
      %mul3A_133 = arith.muli %add3A_131, %mul3A_132 : i32
      %get3A_134 = arith.index_cast %mul3A_133 : i32 to index
      %get3A_135 = tpu.vector_load %arg6[%get3A_134] {strides = array<i32>} : memref<1024xi32, #tpu.memory_space<vmem>>, vector<16xi32>,
      %eq3A_136 = arith.constant 0 : i32
      %eq3A_137 = vector.broadcast %eq3A_136 : i32 to vector<16xi32>
      %eq3A_138 = arith.cmpi eq, %get3A_135, %eq3A_137 : vector<16xi32>
      %jit3A_139 = arith.constant 7 : i32
      %broadcast_in_dim3A_140 = vector.broadcast %arg0 : i32 to vector<16xi32>
      %broadcast_in_dim3A_141 = vector.broadcast %jit3A_139 : i32 to vector<16xi32>
      %select_n3A_142 = arith.select %eq3A_138, %broadcast_in_dim3A_140, %broadcast_in_dim3A_141 : vector<16xi1>, vector<16xi32>
      %swap3A_143 = arith.index_cast %mul3A_133 : i32 to index
      %swap3A_144 = tpu.vector_load %arg8[%swap3A_143] {strides = array<i32>} : memref<1024xi32, #tpu.memory_space<vmem>>, vector<16xi32>,
      tpu.vector_store %arg8[%swap3A_143], %select_n3A_142 {strides = array<i32>} : memref<1024xi32, #tpu.memory_space<vmem>>, vector<16xi32>,
      %scan3A_145 = arith.constant 0 : i32
      scf.yield %scan3A_145 : i32
    }
    %scan3A_44 = arith.constant 16 : i32
    %dma_start3A_45 = arith.constant 0 : i32
    %dma_start3A_46 = arith.constant 0 : i32
    %dma_start3A_47 = tpu.memref_slice %arg3[%dma_start3A_45, %dma_start3A_46] : memref<1000000x32xf32, #tpu.memory_space<hbm>> -> memref<1000000x32xf32, #tpu.memory_space<hbm>>
    %dma_start3A_48 = arith.constant 0 : i32
    tpu.enqueue_indirect_dma source(%dma_start3A_47 : memref<1000000x32xf32, #tpu.memory_space<hbm>>) target(%arg10 : memref<1024x32xf32, #tpu.memory_space<vmem>>) offsets(%arg6 : memref<1024xi32, #tpu.memory_space<vmem>>) offset_filter(%dma_start3A_48) semaphore(%arg15 : memref<!tpu.dma_semaphore, #tpu.memory_space<semaphore_mem>>)
    %dma_start3A_49 = arith.constant 0 : i32
    %dma_start3A_50 = arith.constant 0 : i32
    %dma_start3A_51 = tpu.memref_slice %arg5[%dma_start3A_49, %dma_start3A_50] : memref<2x32xf32, #tpu.memory_space<hbm>> -> memref<2x32xf32, #tpu.memory_space<hbm>>
    %dma_start3A_52 = arith.constant 7 : i32
    tpu.enqueue_indirect_dma source(%dma_start3A_51 : memref<2x32xf32, #tpu.memory_space<hbm>>) target(%arg10 : memref<1024x32xf32, #tpu.memory_space<vmem>>) offsets(%arg8 : memref<1024xi32, #tpu.memory_space<vmem>>) offset_filter(%dma_start3A_52) semaphore(%arg15 : memref<!tpu.dma_semaphore, #tpu.memory_space<semaphore_mem>>)
    %mul3A_53 = arith.constant 4 : i32
    %mul3A_54 = arith.muli %add3A, %mul3A_53 : i32
    %add3A_55 = arith.constant 1 : i32
    %add3A_56 = arith.addi %mul3A_54, %add3A_55 : i32
    %dma_start3A_57 = arith.constant 0 : i32
    %dma_start3A_58 = arith.constant 0 : i32
    %dma_start3A_59 = tpu.memref_slice %arg2[%dma_start3A_57, %add3A_56, %dma_start3A_58] : memref<25x128x1024xi32, #tpu.memory_space<hbm>> -> memref<1x1x1024xi32, #tpu.memory_space<hbm>>
    %dma_start3A_60 = tpu.memref_squeeze %dma_start3A_59 : memref<1x1x1024xi32, #tpu.memory_space<hbm>> -> memref<1024xi32, #tpu.memory_space<hbm>>
    %dma_start3A_61 = arith.constant 0 : i32
    %dma_start3A_62 = tpu.memref_slice %arg2[%dma_start3A_57, %add3A_56, %dma_start3A_61] : memref<25x128x1024xi32, #tpu.memory_space<hbm>> -> memref<1x1x1024xi32, #tpu.memory_space<hbm>>
    %dma_start3A_63 = tpu.memref_squeeze %dma_start3A_62 : memref<1x1x1024xi32, #tpu.memory_space<hbm>> -> memref<1024xi32, #tpu.memory_space<hbm>>
    tpu.enqueue_dma source(%dma_start3A_63 : memref<1024xi32, #tpu.memory_space<hbm>>) target(%arg7 : memref<1024xi32, #tpu.memory_space<vmem>>) target_semaphore(%arg14 : memref<!tpu.dma_semaphore, #tpu.memory_space<semaphore_mem>>)
    %scan3A_64 = arith.constant 0 : i32
    %scan3A_65 = arith.constant 0 : i32
    %scan3A_66 = arith.constant 50 : i32
    %scan3A_67 = arith.addi %scan3A_65, %scan3A_66 : i32
    %scan3A_68 = arith.constant 1 : i32
    %scan3A_69 = scf.for %scan3A_78 = %scan3A_65 to %scan3A_67 step %scan3A_68 iter_args(%scan3A_79 = %scan3A_64) -> (i32)  : i32 {
      %mul3A_80 = arith.constant 2 : i32
      %mul3A_81 = arith.muli %mul3A_80, %scan3A_78 : i32
      %lt3A_82 = arith.constant 99 : i32
      %lt3A_83 = arith.cmpi slt, %mul3A_81, %lt3A_82 : i32
      %convert_element_type3A_84 = arith.extui %lt3A_83 : i1 to i32
      %cond3A_85 = arith.constant 0 : i32
      %cond3A_86 = arith.cmpi ne, %convert_element_type3A_84, %cond3A_85 : i32
      scf.if %cond3A_86 {
        %add3A_298 = arith.constant 1 : i32
        %add3A_299 = arith.addi %mul3A_81, %add3A_298 : i32
        %jit3A_300 = arith.constant 4 : i32
        %div3A_301 = arith.divsi %add3A_299, %jit3A_300 : i32
        %sign3A_302 = arith.constant 0 : i32
        %sign3A_303 = arith.cmpi sgt, %add3A_299, %sign3A_302 : i32
        %sign3A_304 = arith.extui %sign3A_303 : i1 to i32
        %sign3A_305 = arith.constant 0 : i32
        %sign3A_306 = arith.cmpi slt, %add3A_299, %sign3A_305 : i32
        %sign3A_307 = arith.extui %sign3A_306 : i1 to i32
        %sign3A_308 = arith.subi %sign3A_304, %sign3A_307 : i32
        %sign3A_309 = arith.constant 0 : i32
        %sign3A_310 = arith.cmpi sgt, %jit3A_300, %sign3A_309 : i32
        %sign3A_311 = arith.extui %sign3A_310 : i1 to i32
        %sign3A_312 = arith.constant 0 : i32
        %sign3A_313 = arith.cmpi slt, %jit3A_300, %sign3A_312 : i32
        %sign3A_314 = arith.extui %sign3A_313 : i1 to i32
        %sign3A_315 = arith.subi %sign3A_311, %sign3A_314 : i32
        %ne3A_316 = arith.cmpi ne, %sign3A_308, %sign3A_315 : i32
        %rem3A_317 = arith.remsi %add3A_299, %jit3A_300 : i32
        %ne3A_318 = arith.constant 0 : i32
        %ne3A_319 = arith.cmpi ne, %rem3A_317, %ne3A_318 : i32
        %and3A_320 = arith.andi %ne3A_316, %ne3A_319 : i1
        %sub3A_321 = arith.constant 1 : i32
        %sub3A_322 = arith.subi %div3A_301, %sub3A_321 : i32
        %select_n3A_323 = arith.select %and3A_320, %sub3A_322, %div3A_301 : i32
        %mul3A_324 = arith.constant 4 : i32
        %mul3A_325 = arith.muli %add3A, %mul3A_324 : i32
        %jit3A_326 = arith.constant 4 : i32
        %eq3A_327 = arith.constant 0 : i32
        %eq3A_328 = arith.cmpi eq, %jit3A_326, %eq3A_327 : i32
        %jit3A_329 = arith.constant 1 : i32
        %select_n3A_330 = arith.select %eq3A_328, %jit3A_329, %jit3A_326 : i32
        %rem3A_331 = arith.remsi %add3A_299, %select_n3A_330 : i32
        %ne3A_332 = arith.constant 0 : i32
        %ne3A_333 = arith.cmpi ne, %rem3A_331, %ne3A_332 : i32
        %lt3A_334 = arith.constant 0 : i32
        %lt3A_335 = arith.cmpi slt, %rem3A_331, %lt3A_334 : i32
        %lt3A_336 = arith.constant 0 : i32
        %lt3A_337 = arith.cmpi slt, %select_n3A_330, %lt3A_336 : i32
        %ne3A_338 = arith.xori %lt3A_335, %lt3A_337 : i1
        %and3A_339 = arith.andi %ne3A_338, %ne3A_333 : i1
        %add3A_340 = arith.addi %rem3A_331, %select_n3A_330 : i32
        %select_n3A_341 = arith.select %and3A_339, %add3A_340, %rem3A_331 : i32
        %add3A_342 = arith.addi %mul3A_325, %select_n3A_341 : i32
        %dma_wait3A_343 = arith.constant 0 : i32
        %dma_wait3A_344 = tpu.memref_slice %arg2[%select_n3A_323, %add3A_342, %dma_wait3A_343] : memref<25x128x1024xi32, #tpu.memory_space<hbm>> -> memref<1x1x1024xi32, #tpu.memory_space<hbm>>
        %dma_wait3A_345 = tpu.memref_squeeze %dma_wait3A_344 : memref<1x1x1024xi32, #tpu.memory_space<hbm>> -> memref<1024xi32, #tpu.memory_space<hbm>>
        %dma_wait3A_346 = arith.constant 0 : i32
        %dma_wait3A_347 = tpu.memref_slice %arg2[%select_n3A_323, %add3A_342, %dma_wait3A_346] : memref<25x128x1024xi32, #tpu.memory_space<hbm>> -> memref<1x1x1024xi32, #tpu.memory_space<hbm>>
        %dma_wait3A_348 = tpu.memref_squeeze %dma_wait3A_347 : memref<1x1x1024xi32, #tpu.memory_space<hbm>> -> memref<1024xi32, #tpu.memory_space<hbm>>
        tpu.wait_dma2 semaphore(%arg14 : memref<!tpu.dma_semaphore, #tpu.memory_space<semaphore_mem>>) src(%dma_wait3A_348 : memref<1024xi32, #tpu.memory_space<hbm>>) dst(%arg7 : memref<1024xi32, #tpu.memory_space<vmem>>)
        %scan3A_349 = arith.constant 0 : i32
        %scan3A_350 = arith.constant 0 : i32
        %scan3A_351 = arith.constant 16 : i32
        %scan3A_352 = arith.addi %scan3A_350, %scan3A_351 : i32
        %scan3A_353 = arith.constant 1 : i32
        %scan3A_354 = scf.for %scan3A_364 = %scan3A_350 to %scan3A_352 step %scan3A_353 iter_args(%scan3A_365 = %scan3A_349) -> (i32)  : i32 {
          %mul3A_366 = arith.constant 4 : i32
          %mul3A_367 = arith.muli %scan3A_364, %mul3A_366 : i32
          %add3A_368 = arith.constant 0 : i32
          %add3A_369 = arith.addi %mul3A_367, %add3A_368 : i32
          %mul3A_370 = arith.constant 16 : i32
          %mul3A_371 = arith.muli %add3A_369, %mul3A_370 : i32
          %get3A = arith.index_cast %mul3A_371 : i32 to index
          %get3A_372 = tpu.vector_load %arg7[%get3A] {strides = array<i32>} : memref<1024xi32, #tpu.memory_space<vmem>>, vector<16xi32>,
          %eq3A_373 = arith.constant 0 : i32
          %eq3A_374 = vector.broadcast %eq3A_373 : i32 to vector<16xi32>
          %eq3A_375 = arith.cmpi eq, %get3A_372, %eq3A_374 : vector<16xi32>
          %jit3A_376 = arith.constant 7 : i32
          %broadcast_in_dim3A_377 = vector.broadcast %arg0 : i32 to vector<16xi32>
          %broadcast_in_dim3A_378 = vector.broadcast %jit3A_376 : i32 to vector<16xi32>
          %select_n3A_379 = arith.select %eq3A_375, %broadcast_in_dim3A_377, %broadcast_in_dim3A_378 : vector<16xi1>, vector<16xi32>
          %swap3A = arith.index_cast %mul3A_371 : i32 to index
          %swap3A_380 = tpu.vector_load %arg9[%swap3A] {strides = array<i32>} : memref<1024xi32, #tpu.memory_space<vmem>>, vector<16xi32>,
          tpu.vector_store %arg9[%swap3A], %select_n3A_379 {strides = array<i32>} : memref<1024xi32, #tpu.memory_space<vmem>>, vector<16xi32>,
          %mul3A_381 = arith.constant 4 : i32
          %mul3A_382 = arith.muli %scan3A_364, %mul3A_381 : i32
          %add3A_383 = arith.constant 1 : i32
          %add3A_384 = arith.addi %mul3A_382, %add3A_383 : i32
          %mul3A_385 = arith.constant 16 : i32
          %mul3A_386 = arith.muli %add3A_384, %mul3A_385 : i32
          %get3A_387 = arith.index_cast %mul3A_386 : i32 to index
          %get3A_388 = tpu.vector_load %arg7[%get3A_387] {strides = array<i32>} : memref<1024xi32, #tpu.memory_space<vmem>>, vector<16xi32>,
          %eq3A_389 = arith.constant 0 : i32
          %eq3A_390 = vector.broadcast %eq3A_389 : i32 to vector<16xi32>
          %eq3A_391 = arith.cmpi eq, %get3A_388, %eq3A_390 : vector<16xi32>
          %jit3A_392 = arith.constant 7 : i32
          %broadcast_in_dim3A_393 = vector.broadcast %arg0 : i32 to vector<16xi32>
          %broadcast_in_dim3A_394 = vector.broadcast %jit3A_392 : i32 to vector<16xi32>
          %select_n3A_395 = arith.select %eq3A_391, %broadcast_in_dim3A_393, %broadcast_in_dim3A_394 : vector<16xi1>, vector<16xi32>
          %swap3A_396 = arith.index_cast %mul3A_386 : i32 to index
          %swap3A_397 = tpu.vector_load %arg9[%swap3A_396] {strides = array<i32>} : memref<1024xi32, #tpu.memory_space<vmem>>, vector<16xi32>,
          tpu.vector_store %arg9[%swap3A_396], %select_n3A_395 {strides = array<i32>} : memref<1024xi32, #tpu.memory_space<vmem>>, vector<16xi32>,
          %mul3A_398 = arith.constant 4 : i32
          %mul3A_399 = arith.muli %scan3A_364, %mul3A_398 : i32
          %add3A_400 = arith.constant 2 : i32
          %add3A_401 = arith.addi %mul3A_399, %add3A_400 : i32
          %mul3A_402 = arith.constant 16 : i32
          %mul3A_403 = arith.muli %add3A_401, %mul3A_402 : i32
          %get3A_404 = arith.index_cast %mul3A_403 : i32 to index
          %get3A_405 = tpu.vector_load %arg7[%get3A_404] {strides = array<i32>} : memref<1024xi32, #tpu.memory_space<vmem>>, vector<16xi32>,
          %eq3A_406 = arith.constant 0 : i32
          %eq3A_407 = vector.broadcast %eq3A_406 : i32 to vector<16xi32>
          %eq3A_408 = arith.cmpi eq, %get3A_405, %eq3A_407 : vector<16xi32>
          %jit3A_409 = arith.constant 7 : i32
          %broadcast_in_dim3A_410 = vector.broadcast %arg0 : i32 to vector<16xi32>
          %broadcast_in_dim3A_411 = vector.broadcast %jit3A_409 : i32 to vector<16xi32>
          %select_n3A_412 = arith.select %eq3A_408, %broadcast_in_dim3A_410, %broadcast_in_dim3A_411 : vector<16xi1>, vector<16xi32>
          %swap3A_413 = arith.index_cast %mul3A_403 : i32 to index
          %swap3A_414 = tpu.vector_load %arg9[%swap3A_413] {strides = array<i32>} : memref<1024xi32, #tpu.memory_space<vmem>>, vector<16xi32>,
          tpu.vector_store %arg9[%swap3A_413], %select_n3A_412 {strides = array<i32>} : memref<1024xi32, #tpu.memory_space<vmem>>, vector<16xi32>,
          %mul3A_415 = arith.constant 4 : i32
          %mul3A_416 = arith.muli %scan3A_364, %mul3A_415 : i32
          %add3A_417 = arith.constant 3 : i32
          %add3A_418 = arith.addi %mul3A_416, %add3A_417 : i32
          %mul3A_419 = arith.constant 16 : i32
          %mul3A_420 = arith.muli %add3A_418, %mul3A_419 : i32
          %get3A_421 = arith.index_cast %mul3A_420 : i32 to index
          %get3A_422 = tpu.vector_load %arg7[%get3A_421] {strides = array<i32>} : memref<1024xi32, #tpu.memory_space<vmem>>, vector<16xi32>,
          %eq3A_423 = arith.constant 0 : i32
          %eq3A_424 = vector.broadcast %eq3A_423 : i32 to vector<16xi32>
          %eq3A_425 = arith.cmpi eq, %get3A_422, %eq3A_424 : vector<16xi32>
          %jit3A_426 = arith.constant 7 : i32
          %broadcast_in_dim3A_427 = vector.broadcast %arg0 : i32 to vector<16xi32>
          %broadcast_in_dim3A_428 = vector.broadcast %jit3A_426 : i32 to vector<16xi32>
          %select_n3A_429 = arith.select %eq3A_425, %broadcast_in_dim3A_427, %broadcast_in_dim3A_428 : vector<16xi1>, vector<16xi32>
          %swap3A_430 = arith.index_cast %mul3A_420 : i32 to index
          %swap3A_431 = tpu.vector_load %arg9[%swap3A_430] {strides = array<i32>} : memref<1024xi32, #tpu.memory_space<vmem>>, vector<16xi32>,
          tpu.vector_store %arg9[%swap3A_430], %select_n3A_429 {strides = array<i32>} : memref<1024xi32, #tpu.memory_space<vmem>>, vector<16xi32>,
          %scan3A_432 = arith.constant 0 : i32
          scf.yield %scan3A_432 : i32
        }
        %scan3A_355 = arith.constant 16 : i32
        %dma_start3A_356 = arith.constant 0 : i32
        %dma_start3A_357 = arith.constant 0 : i32
        %dma_start3A_358 = tpu.memref_slice %arg3[%dma_start3A_356, %dma_start3A_357] : memref<1000000x32xf32, #tpu.memory_space<hbm>> -> memref<1000000x32xf32, #tpu.memory_space<hbm>>
        %dma_start3A_359 = arith.constant 0 : i32
        tpu.enqueue_indirect_dma source(%dma_start3A_358 : memref<1000000x32xf32, #tpu.memory_space<hbm>>) target(%arg11 : memref<1024x32xf32, #tpu.memory_space<vmem>>) offsets(%arg7 : memref<1024xi32, #tpu.memory_space<vmem>>) offset_filter(%dma_start3A_359) semaphore(%arg16 : memref<!tpu.dma_semaphore, #tpu.memory_space<semaphore_mem>>)
        %dma_start3A_360 = arith.constant 0 : i32
        %dma_start3A_361 = arith.constant 0 : i32
        %dma_start3A_362 = tpu.memref_slice %arg5[%dma_start3A_360, %dma_start3A_361] : memref<2x32xf32, #tpu.memory_space<hbm>> -> memref<2x32xf32, #tpu.memory_space<hbm>>
        %dma_start3A_363 = arith.constant 7 : i32
        tpu.enqueue_indirect_dma source(%dma_start3A_362 : memref<2x32xf32, #tpu.memory_space<hbm>>) target(%arg11 : memref<1024x32xf32, #tpu.memory_space<vmem>>) offsets(%arg9 : memref<1024xi32, #tpu.memory_space<vmem>>) offset_filter(%dma_start3A_363) semaphore(%arg16 : memref<!tpu.dma_semaphore, #tpu.memory_space<semaphore_mem>>)
      } else {
      }
      %dma_wait3A_87 = arith.constant 0 : i32
      %dma_wait3A_88 = arith.constant 0 : i32
      %dma_wait3A_89 = tpu.memref_slice %arg3[%dma_wait3A_87, %dma_wait3A_88] : memref<1000000x32xf32, #tpu.memory_space<hbm>> -> memref<1000000x32xf32, #tpu.memory_space<hbm>>
      tpu.wait_indirect_dma semaphore(%arg15 : memref<!tpu.dma_semaphore, #tpu.memory_space<semaphore_mem>>) src(%dma_wait3A_89 : memref<1000000x32xf32, #tpu.memory_space<hbm>>) dst(%arg10 : memref<1024x32xf32, #tpu.memory_space<vmem>>)
      %dma_wait3A_90 = arith.constant 0 : i32
      %dma_wait3A_91 = arith.constant 0 : i32
      %dma_wait3A_92 = tpu.memref_slice %arg5[%dma_wait3A_90, %dma_wait3A_91] : memref<2x32xf32, #tpu.memory_space<hbm>> -> memref<2x32xf32, #tpu.memory_space<hbm>>
      tpu.wait_indirect_dma semaphore(%arg15 : memref<!tpu.dma_semaphore, #tpu.memory_space<semaphore_mem>>) src(%dma_wait3A_92 : memref<2x32xf32, #tpu.memory_space<hbm>>) dst(%arg10 : memref<1024x32xf32, #tpu.memory_space<vmem>>)
      %lt3A_93 = arith.constant 98 : i32
      %lt3A_94 = arith.cmpi slt, %mul3A_81, %lt3A_93 : i32
      %convert_element_type3A_95 = arith.extui %lt3A_94 : i1 to i32
      %cond3A_96 = arith.constant 0 : i32
      %cond3A_97 = arith.cmpi ne, %convert_element_type3A_95, %cond3A_96 : i32
      scf.if %cond3A_97 {
        %add3A_298 = arith.constant 2 : i32
        %add3A_299 = arith.addi %mul3A_81, %add3A_298 : i32
        %jit3A_300 = arith.constant 4 : i32
        %div3A_301 = arith.divsi %add3A_299, %jit3A_300 : i32
        %sign3A_302 = arith.constant 0 : i32
        %sign3A_303 = arith.cmpi sgt, %add3A_299, %sign3A_302 : i32
        %sign3A_304 = arith.extui %sign3A_303 : i1 to i32
        %sign3A_305 = arith.constant 0 : i32
        %sign3A_306 = arith.cmpi slt, %add3A_299, %sign3A_305 : i32
        %sign3A_307 = arith.extui %sign3A_306 : i1 to i32
        %sign3A_308 = arith.subi %sign3A_304, %sign3A_307 : i32
        %sign3A_309 = arith.constant 0 : i32
        %sign3A_310 = arith.cmpi sgt, %jit3A_300, %sign3A_309 : i32
        %sign3A_311 = arith.extui %sign3A_310 : i1 to i32
        %sign3A_312 = arith.constant 0 : i32
        %sign3A_313 = arith.cmpi slt, %jit3A_300, %sign3A_312 : i32
        %sign3A_314 = arith.extui %sign3A_313 : i1 to i32
        %sign3A_315 = arith.subi %sign3A_311, %sign3A_314 : i32
        %ne3A_316 = arith.cmpi ne, %sign3A_308, %sign3A_315 : i32
        %rem3A_317 = arith.remsi %add3A_299, %jit3A_300 : i32
        %ne3A_318 = arith.constant 0 : i32
        %ne3A_319 = arith.cmpi ne, %rem3A_317, %ne3A_318 : i32
        %and3A_320 = arith.andi %ne3A_316, %ne3A_319 : i1
        %sub3A_321 = arith.constant 1 : i32
        %sub3A_322 = arith.subi %div3A_301, %sub3A_321 : i32
        %select_n3A_323 = arith.select %and3A_320, %sub3A_322, %div3A_301 : i32
        %mul3A_324 = arith.constant 4 : i32
        %mul3A_325 = arith.muli %add3A, %mul3A_324 : i32
        %jit3A_326 = arith.constant 4 : i32
        %eq3A_327 = arith.constant 0 : i32
        %eq3A_328 = arith.cmpi eq, %jit3A_326, %eq3A_327 : i32
        %jit3A_329 = arith.constant 1 : i32
        %select_n3A_330 = arith.select %eq3A_328, %jit3A_329, %jit3A_326 : i32
        %rem3A_331 = arith.remsi %add3A_299, %select_n3A_330 : i32
        %ne3A_332 = arith.constant 0 : i32
        %ne3A_333 = arith.cmpi ne, %rem3A_331, %ne3A_332 : i32
        %lt3A_334 = arith.constant 0 : i32
        %lt3A_335 = arith.cmpi slt, %rem3A_331, %lt3A_334 : i32
        %lt3A_336 = arith.constant 0 : i32
        %lt3A_337 = arith.cmpi slt, %select_n3A_330, %lt3A_336 : i32
        %ne3A_338 = arith.xori %lt3A_335, %lt3A_337 : i1
        %and3A_339 = arith.andi %ne3A_338, %ne3A_333 : i1
        %add3A_340 = arith.addi %rem3A_331, %select_n3A_330 : i32
        %select_n3A_341 = arith.select %and3A_339, %add3A_340, %rem3A_331 : i32
        %add3A_342 = arith.addi %mul3A_325, %select_n3A_341 : i32
        %dma_start3A_343 = arith.constant 0 : i32
        %dma_start3A_344 = tpu.memref_slice %arg2[%select_n3A_323, %add3A_342, %dma_start3A_343] : memref<25x128x1024xi32, #tpu.memory_space<hbm>> -> memref<1x1x1024xi32, #tpu.memory_space<hbm>>
        %dma_start3A_345 = tpu.memref_squeeze %dma_start3A_344 : memref<1x1x1024xi32, #tpu.memory_space<hbm>> -> memref<1024xi32, #tpu.memory_space<hbm>>
        %dma_start3A_346 = arith.constant 0 : i32
        %dma_start3A_347 = tpu.memref_slice %arg2[%select_n3A_323, %add3A_342, %dma_start3A_346] : memref<25x128x1024xi32, #tpu.memory_space<hbm>> -> memref<1x1x1024xi32, #tpu.memory_space<hbm>>
        %dma_start3A_348 = tpu.memref_squeeze %dma_start3A_347 : memref<1x1x1024xi32, #tpu.memory_space<hbm>> -> memref<1024xi32, #tpu.memory_space<hbm>>
        tpu.enqueue_dma source(%dma_start3A_348 : memref<1024xi32, #tpu.memory_space<hbm>>) target(%arg6 : memref<1024xi32, #tpu.memory_space<vmem>>) target_semaphore(%arg13 : memref<!tpu.dma_semaphore, #tpu.memory_space<semaphore_mem>>)
      } else {
      }
      %ge3A = arith.constant 1 : i32
      %ge3A_98 = arith.cmpi sge, %mul3A_81, %ge3A : i32
      %convert_element_type3A_99 = arith.extui %ge3A_98 : i1 to i32
      %cond3A_100 = arith.constant 0 : i32
      %cond3A_101 = arith.cmpi ne, %convert_element_type3A_99, %cond3A_100 : i32
      scf.if %cond3A_101 {
        %sub3A_298 = arith.constant 1 : i32
        %sub3A_299 = arith.subi %mul3A_81, %sub3A_298 : i32
        %scan3A_300 = arith.constant 0 : i32
        %scan3A_301 = arith.constant 0 : i32
        %scan3A_302 = arith.constant 32 : i32
        %scan3A_303 = arith.addi %scan3A_301, %scan3A_302 : i32
        %scan3A_304 = arith.constant 1 : i32
        %scan3A_305 = scf.for %scan3A_307 = %scan3A_301 to %scan3A_303 step %scan3A_304 iter_args(%scan3A_308 = %scan3A_300) -> (i32)  : i32 {
          %jit3A_309 = arith.constant 4 : i32
          %div3A_310 = arith.divsi %sub3A_299, %jit3A_309 : i32
          %sign3A_311 = arith.constant 0 : i32
          %sign3A_312 = arith.cmpi sgt, %sub3A_299, %sign3A_311 : i32
          %sign3A_313 = arith.extui %sign3A_312 : i1 to i32
          %sign3A_314 = arith.constant 0 : i32
          %sign3A_315 = arith.cmpi slt, %sub3A_299, %sign3A_314 : i32
          %sign3A_316 = arith.extui %sign3A_315 : i1 to i32
          %sign3A_317 = arith.subi %sign3A_313, %sign3A_316 : i32
          %sign3A_318 = arith.constant 0 : i32
          %sign3A_319 = arith.cmpi sgt, %jit3A_309, %sign3A_318 : i32
          %sign3A_320 = arith.extui %sign3A_319 : i1 to i32
          %sign3A_321 = arith.constant 0 : i32
          %sign3A_322 = arith.cmpi slt, %jit3A_309, %sign3A_321 : i32
          %sign3A_323 = arith.extui %sign3A_322 : i1 to i32
          %sign3A_324 = arith.subi %sign3A_320, %sign3A_323 : i32
          %ne3A_325 = arith.cmpi ne, %sign3A_317, %sign3A_324 : i32
          %rem3A_326 = arith.remsi %sub3A_299, %jit3A_309 : i32
          %ne3A_327 = arith.constant 0 : i32
          %ne3A_328 = arith.cmpi ne, %rem3A_326, %ne3A_327 : i32
          %and3A_329 = arith.andi %ne3A_325, %ne3A_328 : i1
          %sub3A_330 = arith.constant 1 : i32
          %sub3A_331 = arith.subi %div3A_310, %sub3A_330 : i32
          %select_n3A_332 = arith.select %and3A_329, %sub3A_331, %div3A_310 : i32
          %mul3A_333 = arith.constant 4 : i32
          %mul3A_334 = arith.muli %add3A, %mul3A_333 : i32
          %jit3A_335 = arith.constant 4 : i32
          %eq3A_336 = arith.constant 0 : i32
          %eq3A_337 = arith.cmpi eq, %jit3A_335, %eq3A_336 : i32
          %jit3A_338 = arith.constant 1 : i32
          %select_n3A_339 = arith.select %eq3A_337, %jit3A_338, %jit3A_335 : i32
          %rem3A_340 = arith.remsi %sub3A_299, %select_n3A_339 : i32
          %ne3A_341 = arith.constant 0 : i32
          %ne3A_342 = arith.cmpi ne, %rem3A_340, %ne3A_341 : i32
          %lt3A_343 = arith.constant 0 : i32
          %lt3A_344 = arith.cmpi slt, %rem3A_340, %lt3A_343 : i32
          %lt3A_345 = arith.constant 0 : i32
          %lt3A_346 = arith.cmpi slt, %select_n3A_339, %lt3A_345 : i32
          %ne3A_347 = arith.xori %lt3A_344, %lt3A_346 : i1
          %and3A_348 = arith.andi %ne3A_347, %ne3A_342 : i1
          %add3A_349 = arith.addi %rem3A_340, %select_n3A_339 : i32
          %select_n3A_350 = arith.select %and3A_348, %add3A_349, %rem3A_340 : i32
          %add3A_351 = arith.addi %mul3A_334, %select_n3A_350 : i32
          %jit3A_352 = arith.constant 4 : i32
          %div3A_353 = arith.divsi %scan3A_307, %jit3A_352 : i32
          %sign3A_354 = arith.constant 0 : i32
          %sign3A_355 = arith.cmpi sgt, %scan3A_307, %sign3A_354 : i32
          %sign3A_356 = arith.extui %sign3A_355 : i1 to i32
          %sign3A_357 = arith.constant 0 : i32
          %sign3A_358 = arith.cmpi slt, %scan3A_307, %sign3A_357 : i32
          %sign3A_359 = arith.extui %sign3A_358 : i1 to i32
          %sign3A_360 = arith.subi %sign3A_356, %sign3A_359 : i32
          %sign3A_361 = arith.constant 0 : i32
          %sign3A_362 = arith.cmpi sgt, %jit3A_352, %sign3A_361 : i32
          %sign3A_363 = arith.extui %sign3A_362 : i1 to i32
          %sign3A_364 = arith.constant 0 : i32
          %sign3A_365 = arith.cmpi slt, %jit3A_352, %sign3A_364 : i32
          %sign3A_366 = arith.extui %sign3A_365 : i1 to i32
          %sign3A_367 = arith.subi %sign3A_363, %sign3A_366 : i32
          %ne3A_368 = arith.cmpi ne, %sign3A_360, %sign3A_367 : i32
          %rem3A_369 = arith.remsi %scan3A_307, %jit3A_352 : i32
          %ne3A_370 = arith.constant 0 : i32
          %ne3A_371 = arith.cmpi ne, %rem3A_369, %ne3A_370 : i32
          %and3A_372 = arith.andi %ne3A_368, %ne3A_371 : i1
          %sub3A_373 = arith.constant 1 : i32
          %sub3A_374 = arith.subi %div3A_353, %sub3A_373 : i32
          %select_n3A_375 = arith.select %and3A_372, %sub3A_374, %div3A_353 : i32
          %jit3A_376 = arith.constant 4 : i32
          %eq3A_377 = arith.constant 0 : i32
          %eq3A_378 = arith.cmpi eq, %jit3A_376, %eq3A_377 : i32
          %jit3A_379 = arith.constant 1 : i32
          %select_n3A_380 = arith.select %eq3A_378, %jit3A_379, %jit3A_376 : i32
          %rem3A_381 = arith.remsi %scan3A_307, %select_n3A_380 : i32
          %ne3A_382 = arith.constant 0 : i32
          %ne3A_383 = arith.cmpi ne, %rem3A_381, %ne3A_382 : i32
          %lt3A_384 = arith.constant 0 : i32
          %lt3A_385 = arith.cmpi slt, %rem3A_381, %lt3A_384 : i32
          %lt3A_386 = arith.constant 0 : i32
          %lt3A_387 = arith.cmpi slt, %select_n3A_380, %lt3A_386 : i32
          %ne3A_388 = arith.xori %lt3A_385, %lt3A_387 : i1
          %and3A_389 = arith.andi %ne3A_388, %ne3A_383 : i1
          %add3A_390 = arith.addi %rem3A_381, %select_n3A_380 : i32
          %select_n3A_391 = arith.select %and3A_389, %add3A_390, %rem3A_381 : i32
          %mul3A_392 = arith.constant 8 : i32
          %mul3A_393 = arith.muli %scan3A_307, %mul3A_392 : i32
          %mul3A_394 = arith.constant 8 : i32
          %mul3A_395 = arith.muli %select_n3A_332, %mul3A_394 : i32
          %add3A_396 = arith.addi %mul3A_395, %select_n3A_375 : i32
          %dma_wait3A_397 = arith.constant 0 : i32
          %dma_wait3A_398 = tpu.memref_slice %arg12[%mul3A_393, %dma_wait3A_397] : memref<256x129xf32, #tpu.memory_space<vmem>> -> memref<8x128xf32, #tpu.memory_space<vmem>>
          %dma_wait3A_399 = arith.constant 0 : i32
          %dma_wait3A_400 = arith.constant 0 : i32
          %dma_wait3A_401 = tpu.memref_slice %arg4[%add3A_396, %select_n3A_391, %add3A_351, %dma_wait3A_399, %dma_wait3A_400] : memref<200x4x128x8x128xf32, #tpu.memory_space<hbm>> -> memref<1x1x1x8x128xf32, #tpu.memory_space<hbm>>
          %dma_wait3A_402 = tpu.memref_squeeze %dma_wait3A_401 : memref<1x1x1x8x128xf32, #tpu.memory_space<hbm>> -> memref<8x128xf32, #tpu.memory_space<hbm>>
          %dma_wait3A_403 = arith.constant 0 : i32
          %dma_wait3A_404 = arith.constant 0 : i32
          %dma_wait3A_405 = tpu.memref_slice %arg4[%add3A_396, %select_n3A_391, %add3A_351, %dma_wait3A_403, %dma_wait3A_404] : memref<200x4x128x8x128xf32, #tpu.memory_space<hbm>> -> memref<1x1x1x8x128xf32, #tpu.memory_space<hbm>>
          %dma_wait3A_406 = tpu.memref_squeeze %dma_wait3A_405 : memref<1x1x1x8x128xf32, #tpu.memory_space<hbm>> -> memref<8x128xf32, #tpu.memory_space<hbm>>
          %dma_wait3A_407 = arith.constant 0 : i32
          %dma_wait3A_408 = tpu.memref_slice %arg12[%mul3A_393, %dma_wait3A_407] : memref<256x129xf32, #tpu.memory_space<vmem>> -> memref<8x128xf32, #tpu.memory_space<vmem>>
          tpu.wait_dma2 semaphore(%arg17 : memref<!tpu.dma_semaphore, #tpu.memory_space<semaphore_mem>>) src(%dma_wait3A_408 : memref<8x128xf32, #tpu.memory_space<vmem>>) dst(%dma_wait3A_406 : memref<8x128xf32, #tpu.memory_space<hbm>>)
          %scan3A_409 = arith.constant 0 : i32
          scf.yield %scan3A_409 : i32
        }
        %scan3A_306 = arith.constant 32 : i32
      } else {
      }
      %iota3A_102 = tpu.iota {dimensions = array<i32: 0>} : vector<16xi32>
      %add3A_103 = arith.constant 0 : i32
      %add3A_104 = vector.broadcast %add3A_103 : i32 to vector<16xi32>
      %add3A_105 = arith.addi %add3A_104, %iota3A_102 : vector<16xi32>
      %jit3A_106 = arith.constant 8 : i32
      %div3A = vector.broadcast %jit3A_106 : i32 to vector<16xi32>
      %div3A_107 = arith.divsi %add3A_105, %div3A : vector<16xi32>
      %sign3A = arith.constant 0 : i32
      %sign3A_108 = vector.broadcast %sign3A : i32 to vector<16xi32>
      %sign3A_109 = arith.cmpi sgt, %add3A_105, %sign3A_108 : vector<16xi32>
      %sign3A_110 = arith.extui %sign3A_109 : vector<16xi1> to vector<16xi32>
      %sign3A_111 = arith.constant 0 : i32
      %sign3A_112 = vector.broadcast %sign3A_111 : i32 to vector<16xi32>
      %sign3A_113 = arith.cmpi slt, %add3A_105, %sign3A_112 : vector<16xi32>
      %sign3A_114 = arith.extui %sign3A_113 : vector<16xi1> to vector<16xi32>
      %sign3A_115 = arith.subi %sign3A_110, %sign3A_114 : vector<16xi32>
      %sign3A_116 = arith.constant 0 : i32
      %sign3A_117 = arith.cmpi sgt, %jit3A_106, %sign3A_116 : i32
      %sign3A_118 = arith.extui %sign3A_117 : i1 to i32
      %sign3A_119 = arith.constant 0 : i32
      %sign3A_120 = arith.cmpi slt, %jit3A_106, %sign3A_119 : i32
      %sign3A_121 = arith.extui %sign3A_120 : i1 to i32
      %sign3A_122 = arith.subi %sign3A_118, %sign3A_121 : i32
      %ne3A_123 = vector.broadcast %sign3A_122 : i32 to vector<16xi32>
      %ne3A_124 = arith.cmpi ne, %sign3A_115, %ne3A_123 : vector<16xi32>
      %rem3A_125 = vector.broadcast %jit3A_106 : i32 to vector<16xi32>
      %rem3A_126 = arith.remsi %add3A_105, %rem3A_125 : vector<16xi32>
      %ne3A_127 = arith.constant 0 : i32
      %ne3A_128 = vector.broadcast %ne3A_127 : i32 to vector<16xi32>
      %ne3A_129 = arith.cmpi ne, %rem3A_126, %ne3A_128 : vector<16xi32>
      %and3A_130 = arith.andi %ne3A_124, %ne3A_129 : vector<16xi1>
      %sub3A = arith.constant 1 : i32
      %sub3A_131 = vector.broadcast %sub3A : i32 to vector<16xi32>
      %sub3A_132 = arith.subi %div3A_107, %sub3A_131 : vector<16xi32>
      %select_n3A_133 = arith.select %and3A_130, %sub3A_132, %div3A_107 : vector<16xi1>, vector<16xi32>
      %mul3A_134 = arith.constant 8 : i32
      %mul3A_135 = vector.broadcast %mul3A_134 : i32 to vector<16xi32>
      %mul3A_136 = arith.muli %select_n3A_133, %mul3A_135 : vector<16xi32>
      %add3A_137 = arith.addi %mul3A_136, %select_n3A_15 : vector<16xi32>
      %iota3A_138 = tpu.iota {dimensions = array<i32: 0>} : vector<16xi32>
      %add3A_139 = arith.constant 16 : i32
      %add3A_140 = vector.broadcast %add3A_139 : i32 to vector<16xi32>
      %add3A_141 = arith.addi %add3A_140, %iota3A_138 : vector<16xi32>
      %jit3A_142 = arith.constant 8 : i32
      %div3A_143 = vector.broadcast %jit3A_142 : i32 to vector<16xi32>
      %div3A_144 = arith.divsi %add3A_141, %div3A_143 : vector<16xi32>
      %sign3A_145 = arith.constant 0 : i32
      %sign3A_146 = vector.broadcast %sign3A_145 : i32 to vector<16xi32>
      %sign3A_147 = arith.cmpi sgt, %add3A_141, %sign3A_146 : vector<16xi32>
      %sign3A_148 = arith.extui %sign3A_147 : vector<16xi1> to vector<16xi32>
      %sign3A_149 = arith.constant 0 : i32
      %sign3A_150 = vector.broadcast %sign3A_149 : i32 to vector<16xi32>
      %sign3A_151 = arith.cmpi slt, %add3A_141, %sign3A_150 : vector<16xi32>
      %sign3A_152 = arith.extui %sign3A_151 : vector<16xi1> to vector<16xi32>
      %sign3A_153 = arith.subi %sign3A_148, %sign3A_152 : vector<16xi32>
      %sign3A_154 = arith.constant 0 : i32
      %sign3A_155 = arith.cmpi sgt, %jit3A_142, %sign3A_154 : i32
      %sign3A_156 = arith.extui %sign3A_155 : i1 to i32
      %sign3A_157 = arith.constant 0 : i32
      %sign3A_158 = arith.cmpi slt, %jit3A_142, %sign3A_157 : i32
      %sign3A_159 = arith.extui %sign3A_158 : i1 to i32
      %sign3A_160 = arith.subi %sign3A_156, %sign3A_159 : i32
      %ne3A_161 = vector.broadcast %sign3A_160 : i32 to vector<16xi32>
      %ne3A_162 = arith.cmpi ne, %sign3A_153, %ne3A_161 : vector<16xi32>
      %rem3A_163 = vector.broadcast %jit3A_142 : i32 to vector<16xi32>
      %rem3A_164 = arith.remsi %add3A_141, %rem3A_163 : vector<16xi32>
      %ne3A_165 = arith.constant 0 : i32
      %ne3A_166 = vector.broadcast %ne3A_165 : i32 to vector<16xi32>
      %ne3A_167 = arith.cmpi ne, %rem3A_164, %ne3A_166 : vector<16xi32>
      %and3A_168 = arith.andi %ne3A_162, %ne3A_167 : vector<16xi1>
      %sub3A_169 = arith.constant 1 : i32
      %sub3A_170 = vector.broadcast %sub3A_169 : i32 to vector<16xi32>
      %sub3A_171 = arith.subi %div3A_144, %sub3A_170 : vector<16xi32>
      %select_n3A_172 = arith.select %and3A_168, %sub3A_171, %div3A_144 : vector<16xi1>, vector<16xi32>
      %mul3A_173 = arith.constant 8 : i32
      %mul3A_174 = vector.broadcast %mul3A_173 : i32 to vector<16xi32>
      %mul3A_175 = arith.muli %select_n3A_172, %mul3A_174 : vector<16xi32>
      %add3A_176 = arith.addi %mul3A_175, %select_n3A_15 : vector<16xi32>
      %broadcast_in_dim3A = arith.constant 1 : i32
      %broadcast_in_dim3A_177 = vector.broadcast %broadcast_in_dim3A : i32 to vector<16xi32>
      %scan3A_178 = arith.constant 0 : i32
      %scan3A_179 = arith.constant 0 : i32
      %scan3A_180 = arith.constant 8 : i32
      %scan3A_181 = arith.addi %scan3A_179, %scan3A_180 : i32
      %scan3A_182 = arith.constant 1 : i32
      %scan3A_183 = scf.for %scan3A_298 = %scan3A_179 to %scan3A_181 step %scan3A_182 iter_args(%scan3A_299 = %scan3A_178) -> (i32)  : i32 {
        %mul3A_300 = arith.constant 32 : i32
        %mul3A_301 = arith.muli %scan3A_298, %mul3A_300 : i32
        %broadcast_in_dim3A_302 = vector.broadcast %mul3A_301 : i32 to vector<16xi32>
        %add3A_303 = arith.addi %add3A_137, %broadcast_in_dim3A_302 : vector<16xi32>
        %add3A_304 = arith.addi %add3A_176, %broadcast_in_dim3A_302 : vector<16xi32>
        %iota3A_305 = tpu.iota {dimensions = array<i32: 0>} : vector<16xi32>
        %mul3A_306 = arith.constant 0 : i32
        %mul3A_307 = vector.broadcast %mul3A_306 : i32 to vector<16xi32>
        %mul3A_308 = arith.muli %iota3A_305, %mul3A_307 : vector<16xi32>
        %scan3A_309 = arith.constant 0 : i32
        %scan3A_310 = arith.constant 16 : i32
        %scan3A_311 = arith.addi %scan3A_309, %scan3A_310 : i32
        %scan3A_312 = arith.constant 1 : i32
        %scan3A_313 = scf.for %scan3A_323 = %scan3A_309 to %scan3A_311 step %scan3A_312 iter_args(%scan3A_324 = %mul3A_308) -> (vector<16xi32>)  : i32 {
          %mul3A_325 = arith.constant 128 : i32
          %mul3A_326 = arith.muli %scan3A_298, %mul3A_325 : i32
          %mul3A_327 = arith.constant 8 : i32
          %mul3A_328 = arith.muli %scan3A_323, %mul3A_327 : i32
          %add3A_329 = arith.addi %mul3A_326, %mul3A_328 : i32
          %add3A_330 = arith.constant 0 : i32
          %add3A_331 = arith.addi %add3A_329, %add3A_330 : i32
          %get3A = arith.index_cast %add3A_331 : i32 to index
          %get3A_332 = arith.constant 0 : index
          %get3A_333 = tpu.vector_load %arg10[%get3A, %get3A_332] {strides = array<i32>} : memref<1024x32xf32, #tpu.memory_space<vmem>>, vector<16xf32>,
          tpu.vector_store_idx %arg12[%add3A_303, %scan3A_324], %get3A_333 : memref<256x129xf32, #tpu.memory_space<vmem>>[vector<16xi32>, vector<16xi32>], vector<16xf32>,
          %get3A_334 = arith.index_cast %add3A_331 : i32 to index
          %get3A_335 = arith.constant 16 : index
          %get3A_336 = tpu.vector_load %arg10[%get3A_334, %get3A_335] {strides = array<i32>} : memref<1024x32xf32, #tpu.memory_space<vmem>>, vector<16xf32>,
          tpu.vector_store_idx %arg12[%add3A_304, %scan3A_324], %get3A_336 : memref<256x129xf32, #tpu.memory_space<vmem>>[vector<16xi32>, vector<16xi32>], vector<16xf32>,
          %add3A_337 = arith.addi %scan3A_324, %broadcast_in_dim3A_177 : vector<16xi32>
          %mul3A_338 = arith.constant 128 : i32
          %mul3A_339 = arith.muli %scan3A_298, %mul3A_338 : i32
          %mul3A_340 = arith.constant 8 : i32
          %mul3A_341 = arith.muli %scan3A_323, %mul3A_340 : i32
          %add3A_342 = arith.addi %mul3A_339, %mul3A_341 : i32
          %add3A_343 = arith.constant 1 : i32
          %add3A_344 = arith.addi %add3A_342, %add3A_343 : i32
          %get3A_345 = arith.index_cast %add3A_344 : i32 to index
          %get3A_346 = arith.constant 0 : index
          %get3A_347 = tpu.vector_load %arg10[%get3A_345, %get3A_346] {strides = array<i32>} : memref<1024x32xf32, #tpu.memory_space<vmem>>, vector<16xf32>,
          tpu.vector_store_idx %arg12[%add3A_303, %add3A_337], %get3A_347 : memref<256x129xf32, #tpu.memory_space<vmem>>[vector<16xi32>, vector<16xi32>], vector<16xf32>,
          %get3A_348 = arith.index_cast %add3A_344 : i32 to index
          %get3A_349 = arith.constant 16 : index
          %get3A_350 = tpu.vector_load %arg10[%get3A_348, %get3A_349] {strides = array<i32>} : memref<1024x32xf32, #tpu.memory_space<vmem>>, vector<16xf32>,
          tpu.vector_store_idx %arg12[%add3A_304, %add3A_337], %get3A_350 : memref<256x129xf32, #tpu.memory_space<vmem>>[vector<16xi32>, vector<16xi32>], vector<16xf32>,
          %add3A_351 = arith.addi %add3A_337, %broadcast_in_dim3A_177 : vector<16xi32>
          %mul3A_352 = arith.constant 128 : i32
          %mul3A_353 = arith.muli %scan3A_298, %mul3A_352 : i32
          %mul3A_354 = arith.constant 8 : i32
          %mul3A_355 = arith.muli %scan3A_323, %mul3A_354 : i32
          %add3A_356 = arith.addi %mul3A_353, %mul3A_355 : i32
          %add3A_357 = arith.constant 2 : i32
          %add3A_358 = arith.addi %add3A_356, %add3A_357 : i32
          %get3A_359 = arith.index_cast %add3A_358 : i32 to index
          %get3A_360 = arith.constant 0 : index
          %get3A_361 = tpu.vector_load %arg10[%get3A_359, %get3A_360] {strides = array<i32>} : memref<1024x32xf32, #tpu.memory_space<vmem>>, vector<16xf32>,
          tpu.vector_store_idx %arg12[%add3A_303, %add3A_351], %get3A_361 : memref<256x129xf32, #tpu.memory_space<vmem>>[vector<16xi32>, vector<16xi32>], vector<16xf32>,
          %get3A_362 = arith.index_cast %add3A_358 : i32 to index
          %get3A_363 = arith.constant 16 : index
          %get3A_364 = tpu.vector_load %arg10[%get3A_362, %get3A_363] {strides = array<i32>} : memref<1024x32xf32, #tpu.memory_space<vmem>>, vector<16xf32>,
          tpu.vector_store_idx %arg12[%add3A_304, %add3A_351], %get3A_364 : memref<256x129xf32, #tpu.memory_space<vmem>>[vector<16xi32>, vector<16xi32>], vector<16xf32>,
          %add3A_365 = arith.addi %add3A_351, %broadcast_in_dim3A_177 : vector<16xi32>
          %mul3A_366 = arith.constant 128 : i32
          %mul3A_367 = arith.muli %scan3A_298, %mul3A_366 : i32
          %mul3A_368 = arith.constant 8 : i32
          %mul3A_369 = arith.muli %scan3A_323, %mul3A_368 : i32
          %add3A_370 = arith.addi %mul3A_367, %mul3A_369 : i32
          %add3A_371 = arith.constant 3 : i32
          %add3A_372 = arith.addi %add3A_370, %add3A_371 : i32
          %get3A_373 = arith.index_cast %add3A_372 : i32 to index
          %get3A_374 = arith.constant 0 : index
          %get3A_375 = tpu.vector_load %arg10[%get3A_373, %get3A_374] {strides = array<i32>} : memref<1024x32xf32, #tpu.memory_space<vmem>>, vector<16xf32>,
          tpu.vector_store_idx %arg12[%add3A_303, %add3A_365], %get3A_375 : memref<256x129xf32, #tpu.memory_space<vmem>>[vector<16xi32>, vector<16xi32>], vector<16xf32>,
          %get3A_376 = arith.index_cast %add3A_372 : i32 to index
          %get3A_377 = arith.constant 16 : index
          %get3A_378 = tpu.vector_load %arg10[%get3A_376, %get3A_377] {strides = array<i32>} : memref<1024x32xf32, #tpu.memory_space<vmem>>, vector<16xf32>,
          tpu.vector_store_idx %arg12[%add3A_304, %add3A_365], %get3A_378 : memref<256x129xf32, #tpu.memory_space<vmem>>[vector<16xi32>, vector<16xi32>], vector<16xf32>,
          %add3A_379 = arith.addi %add3A_365, %broadcast_in_dim3A_177 : vector<16xi32>
          %mul3A_380 = arith.constant 128 : i32
          %mul3A_381 = arith.muli %scan3A_298, %mul3A_380 : i32
          %mul3A_382 = arith.constant 8 : i32
          %mul3A_383 = arith.muli %scan3A_323, %mul3A_382 : i32
          %add3A_384 = arith.addi %mul3A_381, %mul3A_383 : i32
          %add3A_385 = arith.constant 4 : i32
          %add3A_386 = arith.addi %add3A_384, %add3A_385 : i32
          %get3A_387 = arith.index_cast %add3A_386 : i32 to index
          %get3A_388 = arith.constant 0 : index
          %get3A_389 = tpu.vector_load %arg10[%get3A_387, %get3A_388] {strides = array<i32>} : memref<1024x32xf32, #tpu.memory_space<vmem>>, vector<16xf32>,
          tpu.vector_store_idx %arg12[%add3A_303, %add3A_379], %get3A_389 : memref<256x129xf32, #tpu.memory_space<vmem>>[vector<16xi32>, vector<16xi32>], vector<16xf32>,
          %get3A_390 = arith.index_cast %add3A_386 : i32 to index
          %get3A_391 = arith.constant 16 : index
          %get3A_392 = tpu.vector_load %arg10[%get3A_390, %get3A_391] {strides = array<i32>} : memref<1024x32xf32, #tpu.memory_space<vmem>>, vector<16xf32>,
          tpu.vector_store_idx %arg12[%add3A_304, %add3A_379], %get3A_392 : memref<256x129xf32, #tpu.memory_space<vmem>>[vector<16xi32>, vector<16xi32>], vector<16xf32>,
          %add3A_393 = arith.addi %add3A_379, %broadcast_in_dim3A_177 : vector<16xi32>
          %mul3A_394 = arith.constant 128 : i32
          %mul3A_395 = arith.muli %scan3A_298, %mul3A_394 : i32
          %mul3A_396 = arith.constant 8 : i32
          %mul3A_397 = arith.muli %scan3A_323, %mul3A_396 : i32
          %add3A_398 = arith.addi %mul3A_395, %mul3A_397 : i32
          %add3A_399 = arith.constant 5 : i32
          %add3A_400 = arith.addi %add3A_398, %add3A_399 : i32
          %get3A_401 = arith.index_cast %add3A_400 : i32 to index
          %get3A_402 = arith.constant 0 : index
          %get3A_403 = tpu.vector_load %arg10[%get3A_401, %get3A_402] {strides = array<i32>} : memref<1024x32xf32, #tpu.memory_space<vmem>>, vector<16xf32>,
          tpu.vector_store_idx %arg12[%add3A_303, %add3A_393], %get3A_403 : memref<256x129xf32, #tpu.memory_space<vmem>>[vector<16xi32>, vector<16xi32>], vector<16xf32>,
          %get3A_404 = arith.index_cast %add3A_400 : i32 to index
          %get3A_405 = arith.constant 16 : index
          %get3A_406 = tpu.vector_load %arg10[%get3A_404, %get3A_405] {strides = array<i32>} : memref<1024x32xf32, #tpu.memory_space<vmem>>, vector<16xf32>,
          tpu.vector_store_idx %arg12[%add3A_304, %add3A_393], %get3A_406 : memref<256x129xf32, #tpu.memory_space<vmem>>[vector<16xi32>, vector<16xi32>], vector<16xf32>,
          %add3A_407 = arith.addi %add3A_393, %broadcast_in_dim3A_177 : vector<16xi32>
          %mul3A_408 = arith.constant 128 : i32
          %mul3A_409 = arith.muli %scan3A_298, %mul3A_408 : i32
          %mul3A_410 = arith.constant 8 : i32
          %mul3A_411 = arith.muli %scan3A_323, %mul3A_410 : i32
          %add3A_412 = arith.addi %mul3A_409, %mul3A_411 : i32
          %add3A_413 = arith.constant 6 : i32
          %add3A_414 = arith.addi %add3A_412, %add3A_413 : i32
          %get3A_415 = arith.index_cast %add3A_414 : i32 to index
          %get3A_416 = arith.constant 0 : index
          %get3A_417 = tpu.vector_load %arg10[%get3A_415, %get3A_416] {strides = array<i32>} : memref<1024x32xf32, #tpu.memory_space<vmem>>, vector<16xf32>,
          tpu.vector_store_idx %arg12[%add3A_303, %add3A_407], %get3A_417 : memref<256x129xf32, #tpu.memory_space<vmem>>[vector<16xi32>, vector<16xi32>], vector<16xf32>,
          %get3A_418 = arith.index_cast %add3A_414 : i32 to index
          %get3A_419 = arith.constant 16 : index
          %get3A_420 = tpu.vector_load %arg10[%get3A_418, %get3A_419] {strides = array<i32>} : memref<1024x32xf32, #tpu.memory_space<vmem>>, vector<16xf32>,
          tpu.vector_store_idx %arg12[%add3A_304, %add3A_407], %get3A_420 : memref<256x129xf32, #tpu.memory_space<vmem>>[vector<16xi32>, vector<16xi32>], vector<16xf32>,
          %add3A_421 = arith.addi %add3A_407, %broadcast_in_dim3A_177 : vector<16xi32>
          %mul3A_422 = arith.constant 128 : i32
          %mul3A_423 = arith.muli %scan3A_298, %mul3A_422 : i32
          %mul3A_424 = arith.constant 8 : i32
          %mul3A_425 = arith.muli %scan3A_323, %mul3A_424 : i32
          %add3A_426 = arith.addi %mul3A_423, %mul3A_425 : i32
          %add3A_427 = arith.constant 7 : i32
          %add3A_428 = arith.addi %add3A_426, %add3A_427 : i32
          %get3A_429 = arith.index_cast %add3A_428 : i32 to index
          %get3A_430 = arith.constant 0 : index
          %get3A_431 = tpu.vector_load %arg10[%get3A_429, %get3A_430] {strides = array<i32>} : memref<1024x32xf32, #tpu.memory_space<vmem>>, vector<16xf32>,
          tpu.vector_store_idx %arg12[%add3A_303, %add3A_421], %get3A_431 : memref<256x129xf32, #tpu.memory_space<vmem>>[vector<16xi32>, vector<16xi32>], vector<16xf32>,
          %get3A_432 = arith.index_cast %add3A_428 : i32 to index
          %get3A_433 = arith.constant 16 : index
          %get3A_434 = tpu.vector_load %arg10[%get3A_432, %get3A_433] {strides = array<i32>} : memref<1024x32xf32, #tpu.memory_space<vmem>>, vector<16xf32>,
          tpu.vector_store_idx %arg12[%add3A_304, %add3A_421], %get3A_434 : memref<256x129xf32, #tpu.memory_space<vmem>>[vector<16xi32>, vector<16xi32>], vector<16xf32>,
          %add3A_435 = arith.addi %add3A_421, %broadcast_in_dim3A_177 : vector<16xi32>
          scf.yield %add3A_435 : vector<16xi32>
        }
        %scan3A_314 = arith.constant 16 : i32
        %scan3A_315 = arith.constant 0 : i32
        %scan3A_316 = arith.constant 0 : i32
        %scan3A_317 = arith.constant 4 : i32
        %scan3A_318 = arith.addi %scan3A_316, %scan3A_317 : i32
        %scan3A_319 = arith.constant 1 : i32
        %scan3A_320 = scf.for %scan3A_323 = %scan3A_316 to %scan3A_318 step %scan3A_319 iter_args(%scan3A_324 = %scan3A_315) -> (i32)  : i32 {
          %mul3A_325 = arith.constant 4 : i32
          %mul3A_326 = arith.muli %scan3A_298, %mul3A_325 : i32
          %add3A_327 = arith.addi %mul3A_326, %scan3A_323 : i32
          %jit3A_328 = arith.constant 4 : i32
          %div3A_329 = arith.divsi %mul3A_81, %jit3A_328 : i32
          %sign3A_330 = arith.constant 0 : i32
          %sign3A_331 = arith.cmpi sgt, %mul3A_81, %sign3A_330 : i32
          %sign3A_332 = arith.extui %sign3A_331 : i1 to i32
          %sign3A_333 = arith.constant 0 : i32
          %sign3A_334 = arith.cmpi slt, %mul3A_81, %sign3A_333 : i32
          %sign3A_335 = arith.extui %sign3A_334 : i1 to i32
          %sign3A_336 = arith.subi %sign3A_332, %sign3A_335 : i32
          %sign3A_337 = arith.constant 0 : i32
          %sign3A_338 = arith.cmpi sgt, %jit3A_328, %sign3A_337 : i32
          %sign3A_339 = arith.extui %sign3A_338 : i1 to i32
          %sign3A_340 = arith.constant 0 : i32
          %sign3A_341 = arith.cmpi slt, %jit3A_328, %sign3A_340 : i32
          %sign3A_342 = arith.extui %sign3A_341 : i1 to i32
          %sign3A_343 = arith.subi %sign3A_339, %sign3A_342 : i32
          %ne3A_344 = arith.cmpi ne, %sign3A_336, %sign3A_343 : i32
          %rem3A_345 = arith.remsi %mul3A_81, %jit3A_328 : i32
          %ne3A_346 = arith.constant 0 : i32
          %ne3A_347 = arith.cmpi ne, %rem3A_345, %ne3A_346 : i32
          %and3A_348 = arith.andi %ne3A_344, %ne3A_347 : i1
          %sub3A_349 = arith.constant 1 : i32
          %sub3A_350 = arith.subi %div3A_329, %sub3A_349 : i32
          %select_n3A_351 = arith.select %and3A_348, %sub3A_350, %div3A_329 : i32
          %mul3A_352 = arith.constant 4 : i32
          %mul3A_353 = arith.muli %add3A, %mul3A_352 : i32
          %jit3A_354 = arith.constant 4 : i32
          %eq3A_355 = arith.constant 0 : i32
          %eq3A_356 = arith.cmpi eq, %jit3A_354, %eq3A_355 : i32
          %jit3A_357 = arith.constant 1 : i32
          %select_n3A_358 = arith.select %eq3A_356, %jit3A_357, %jit3A_354 : i32
          %rem3A_359 = arith.remsi %mul3A_81, %select_n3A_358 : i32
          %ne3A_360 = arith.constant 0 : i32
          %ne3A_361 = arith.cmpi ne, %rem3A_359, %ne3A_360 : i32
          %lt3A_362 = arith.constant 0 : i32
          %lt3A_363 = arith.cmpi slt, %rem3A_359, %lt3A_362 : i32
          %lt3A_364 = arith.constant 0 : i32
          %lt3A_365 = arith.cmpi slt, %select_n3A_358, %lt3A_364 : i32
          %ne3A_366 = arith.xori %lt3A_363, %lt3A_365 : i1
          %and3A_367 = arith.andi %ne3A_366, %ne3A_361 : i1
          %add3A_368 = arith.addi %rem3A_359, %select_n3A_358 : i32
          %select_n3A_369 = arith.select %and3A_367, %add3A_368, %rem3A_359 : i32
          %add3A_370 = arith.addi %mul3A_353, %select_n3A_369 : i32
          %jit3A_371 = arith.constant 4 : i32
          %div3A_372 = arith.divsi %add3A_327, %jit3A_371 : i32
          %sign3A_373 = arith.constant 0 : i32
          %sign3A_374 = arith.cmpi sgt, %add3A_327, %sign3A_373 : i32
          %sign3A_375 = arith.extui %sign3A_374 : i1 to i32
          %sign3A_376 = arith.constant 0 : i32
          %sign3A_377 = arith.cmpi slt, %add3A_327, %sign3A_376 : i32
          %sign3A_378 = arith.extui %sign3A_377 : i1 to i32
          %sign3A_379 = arith.subi %sign3A_375, %sign3A_378 : i32
          %sign3A_380 = arith.constant 0 : i32
          %sign3A_381 = arith.cmpi sgt, %jit3A_371, %sign3A_380 : i32
          %sign3A_382 = arith.extui %sign3A_381 : i1 to i32
          %sign3A_383 = arith.constant 0 : i32
          %sign3A_384 = arith.cmpi slt, %jit3A_371, %sign3A_383 : i32
          %sign3A_385 = arith.extui %sign3A_384 : i1 to i32
          %sign3A_386 = arith.subi %sign3A_382, %sign3A_385 : i32
          %ne3A_387 = arith.cmpi ne, %sign3A_379, %sign3A_386 : i32
          %rem3A_388 = arith.remsi %add3A_327, %jit3A_371 : i32
          %ne3A_389 = arith.constant 0 : i32
          %ne3A_390 = arith.cmpi ne, %rem3A_388, %ne3A_389 : i32
          %and3A_391 = arith.andi %ne3A_387, %ne3A_390 : i1
          %sub3A_392 = arith.constant 1 : i32
          %sub3A_393 = arith.subi %div3A_372, %sub3A_392 : i32
          %select_n3A_394 = arith.select %and3A_391, %sub3A_393, %div3A_372 : i32
          %jit3A_395 = arith.constant 4 : i32
          %eq3A_396 = arith.constant 0 : i32
          %eq3A_397 = arith.cmpi eq, %jit3A_395, %eq3A_396 : i32
          %jit3A_398 = arith.constant 1 : i32
          %select_n3A_399 = arith.select %eq3A_397, %jit3A_398, %jit3A_395 : i32
          %rem3A_400 = arith.remsi %add3A_327, %select_n3A_399 : i32
          %ne3A_401 = arith.constant 0 : i32
          %ne3A_402 = arith.cmpi ne, %rem3A_400, %ne3A_401 : i32
          %lt3A_403 = arith.constant 0 : i32
          %lt3A_404 = arith.cmpi slt, %rem3A_400, %lt3A_403 : i32
          %lt3A_405 = arith.constant 0 : i32
          %lt3A_406 = arith.cmpi slt, %select_n3A_399, %lt3A_405 : i32
          %ne3A_407 = arith.xori %lt3A_404, %lt3A_406 : i1
          %and3A_408 = arith.andi %ne3A_407, %ne3A_402 : i1
          %add3A_409 = arith.addi %rem3A_400, %select_n3A_399 : i32
          %select_n3A_410 = arith.select %and3A_408, %add3A_409, %rem3A_400 : i32
          %mul3A_411 = arith.constant 8 : i32
          %mul3A_412 = arith.muli %add3A_327, %mul3A_411 : i32
          %mul3A_413 = arith.constant 8 : i32
          %mul3A_414 = arith.muli %select_n3A_351, %mul3A_413 : i32
          %add3A_415 = arith.addi %mul3A_414, %select_n3A_394 : i32
          %dma_start3A_416 = arith.constant 0 : i32
          %dma_start3A_417 = tpu.memref_slice %arg12[%mul3A_412, %dma_start3A_416] : memref<256x129xf32, #tpu.memory_space<vmem>> -> memref<8x128xf32, #tpu.memory_space<vmem>>
          %dma_start3A_418 = arith.constant 0 : i32
          %dma_start3A_419 = arith.constant 0 : i32
          %dma_start3A_420 = tpu.memref_slice %arg4[%add3A_415, %select_n3A_410, %add3A_370, %dma_start3A_418, %dma_start3A_419] : memref<200x4x128x8x128xf32, #tpu.memory_space<hbm>> -> memref<1x1x1x8x128xf32, #tpu.memory_space<hbm>>
          %dma_start3A_421 = tpu.memref_squeeze %dma_start3A_420 : memref<1x1x1x8x128xf32, #tpu.memory_space<hbm>> -> memref<8x128xf32, #tpu.memory_space<hbm>>
          %dma_start3A_422 = arith.constant 0 : i32
          %dma_start3A_423 = arith.constant 0 : i32
          %dma_start3A_424 = tpu.memref_slice %arg4[%add3A_415, %select_n3A_410, %add3A_370, %dma_start3A_422, %dma_start3A_423] : memref<200x4x128x8x128xf32, #tpu.memory_space<hbm>> -> memref<1x1x1x8x128xf32, #tpu.memory_space<hbm>>
          %dma_start3A_425 = tpu.memref_squeeze %dma_start3A_424 : memref<1x1x1x8x128xf32, #tpu.memory_space<hbm>> -> memref<8x128xf32, #tpu.memory_space<hbm>>
          %dma_start3A_426 = arith.constant 0 : i32
          %dma_start3A_427 = tpu.memref_slice %arg12[%mul3A_412, %dma_start3A_426] : memref<256x129xf32, #tpu.memory_space<vmem>> -> memref<8x128xf32, #tpu.memory_space<vmem>>
          tpu.enqueue_dma source(%dma_start3A_427 : memref<8x128xf32, #tpu.memory_space<vmem>>) target(%dma_start3A_425 : memref<8x128xf32, #tpu.memory_space<hbm>>) target_semaphore(%arg17 : memref<!tpu.dma_semaphore, #tpu.memory_space<semaphore_mem>>)
          %scan3A_428 = arith.constant 0 : i32
          scf.yield %scan3A_428 : i32
        }
        %scan3A_321 = arith.constant 4 : i32
        %scan3A_322 = arith.constant 0 : i32
        scf.yield %scan3A_322 : i32
      }
      %scan3A_184 = arith.constant 8 : i32
      %mul3A_185 = arith.constant 2 : i32
      %mul3A_186 = arith.muli %mul3A_185, %scan3A_78 : i32
      %add3A_187 = arith.constant 1 : i32
      %add3A_188 = arith.addi %mul3A_186, %add3A_187 : i32
      %lt3A_189 = arith.constant 99 : i32
      %lt3A_190 = arith.cmpi slt, %add3A_188, %lt3A_189 : i32
      %convert_element_type3A_191 = arith.extui %lt3A_190 : i1 to i32
      %cond3A_192 = arith.constant 0 : i32
      %cond3A_193 = arith.cmpi ne, %convert_element_type3A_191, %cond3A_192 : i32
      scf.if %cond3A_193 {
        %add3A_298 = arith.constant 1 : i32
        %add3A_299 = arith.addi %add3A_188, %add3A_298 : i32
        %jit3A_300 = arith.constant 4 : i32
        %div3A_301 = arith.divsi %add3A_299, %jit3A_300 : i32
        %sign3A_302 = arith.constant 0 : i32
        %sign3A_303 = arith.cmpi sgt, %add3A_299, %sign3A_302 : i32
        %sign3A_304 = arith.extui %sign3A_303 : i1 to i32
        %sign3A_305 = arith.constant 0 : i32
        %sign3A_306 = arith.cmpi slt, %add3A_299, %sign3A_305 : i32
        %sign3A_307 = arith.extui %sign3A_306 : i1 to i32
        %sign3A_308 = arith.subi %sign3A_304, %sign3A_307 : i32
        %sign3A_309 = arith.constant 0 : i32
        %sign3A_310 = arith.cmpi sgt, %jit3A_300, %sign3A_309 : i32
        %sign3A_311 = arith.extui %sign3A_310 : i1 to i32
        %sign3A_312 = arith.constant 0 : i32
        %sign3A_313 = arith.cmpi slt, %jit3A_300, %sign3A_312 : i32
        %sign3A_314 = arith.extui %sign3A_313 : i1 to i32
        %sign3A_315 = arith.subi %sign3A_311, %sign3A_314 : i32
        %ne3A_316 = arith.cmpi ne, %sign3A_308, %sign3A_315 : i32
        %rem3A_317 = arith.remsi %add3A_299, %jit3A_300 : i32
        %ne3A_318 = arith.constant 0 : i32
        %ne3A_319 = arith.cmpi ne, %rem3A_317, %ne3A_318 : i32
        %and3A_320 = arith.andi %ne3A_316, %ne3A_319 : i1
        %sub3A_321 = arith.constant 1 : i32
        %sub3A_322 = arith.subi %div3A_301, %sub3A_321 : i32
        %select_n3A_323 = arith.select %and3A_320, %sub3A_322, %div3A_301 : i32
        %mul3A_324 = arith.constant 4 : i32
        %mul3A_325 = arith.muli %add3A, %mul3A_324 : i32
        %jit3A_326 = arith.constant 4 : i32
        %eq3A_327 = arith.constant 0 : i32
        %eq3A_328 = arith.cmpi eq, %jit3A_326, %eq3A_327 : i32
        %jit3A_329 = arith.constant 1 : i32
        %select_n3A_330 = arith.select %eq3A_328, %jit3A_329, %jit3A_326 : i32
        %rem3A_331 = arith.remsi %add3A_299, %select_n3A_330 : i32
        %ne3A_332 = arith.constant 0 : i32
        %ne3A_333 = arith.cmpi ne, %rem3A_331, %ne3A_332 : i32
        %lt3A_334 = arith.constant 0 : i32
        %lt3A_335 = arith.cmpi slt, %rem3A_331, %lt3A_334 : i32
        %lt3A_336 = arith.constant 0 : i32
        %lt3A_337 = arith.cmpi slt, %select_n3A_330, %lt3A_336 : i32
        %ne3A_338 = arith.xori %lt3A_335, %lt3A_337 : i1
        %and3A_339 = arith.andi %ne3A_338, %ne3A_333 : i1
        %add3A_340 = arith.addi %rem3A_331, %select_n3A_330 : i32
        %select_n3A_341 = arith.select %and3A_339, %add3A_340, %rem3A_331 : i32
        %add3A_342 = arith.addi %mul3A_325, %select_n3A_341 : i32
        %dma_wait3A_343 = arith.constant 0 : i32
        %dma_wait3A_344 = tpu.memref_slice %arg2[%select_n3A_323, %add3A_342, %dma_wait3A_343] : memref<25x128x1024xi32, #tpu.memory_space<hbm>> -> memref<1x1x1024xi32, #tpu.memory_space<hbm>>
        %dma_wait3A_345 = tpu.memref_squeeze %dma_wait3A_344 : memref<1x1x1024xi32, #tpu.memory_space<hbm>> -> memref<1024xi32, #tpu.memory_space<hbm>>
        %dma_wait3A_346 = arith.constant 0 : i32
        %dma_wait3A_347 = tpu.memref_slice %arg2[%select_n3A_323, %add3A_342, %dma_wait3A_346] : memref<25x128x1024xi32, #tpu.memory_space<hbm>> -> memref<1x1x1024xi32, #tpu.memory_space<hbm>>
        %dma_wait3A_348 = tpu.memref_squeeze %dma_wait3A_347 : memref<1x1x1024xi32, #tpu.memory_space<hbm>> -> memref<1024xi32, #tpu.memory_space<hbm>>
        tpu.wait_dma2 semaphore(%arg13 : memref<!tpu.dma_semaphore, #tpu.memory_space<semaphore_mem>>) src(%dma_wait3A_348 : memref<1024xi32, #tpu.memory_space<hbm>>) dst(%arg6 : memref<1024xi32, #tpu.memory_space<vmem>>)
        %scan3A_349 = arith.constant 0 : i32
        %scan3A_350 = arith.constant 0 : i32
        %scan3A_351 = arith.constant 16 : i32
        %scan3A_352 = arith.addi %scan3A_350, %scan3A_351 : i32
        %scan3A_353 = arith.constant 1 : i32
        %scan3A_354 = scf.for %scan3A_364 = %scan3A_350 to %scan3A_352 step %scan3A_353 iter_args(%scan3A_365 = %scan3A_349) -> (i32)  : i32 {
          %mul3A_366 = arith.constant 4 : i32
          %mul3A_367 = arith.muli %scan3A_364, %mul3A_366 : i32
          %add3A_368 = arith.constant 0 : i32
          %add3A_369 = arith.addi %mul3A_367, %add3A_368 : i32
          %mul3A_370 = arith.constant 16 : i32
          %mul3A_371 = arith.muli %add3A_369, %mul3A_370 : i32
          %get3A = arith.index_cast %mul3A_371 : i32 to index
          %get3A_372 = tpu.vector_load %arg6[%get3A] {strides = array<i32>} : memref<1024xi32, #tpu.memory_space<vmem>>, vector<16xi32>,
          %eq3A_373 = arith.constant 0 : i32
          %eq3A_374 = vector.broadcast %eq3A_373 : i32 to vector<16xi32>
          %eq3A_375 = arith.cmpi eq, %get3A_372, %eq3A_374 : vector<16xi32>
          %jit3A_376 = arith.constant 7 : i32
          %broadcast_in_dim3A_377 = vector.broadcast %arg0 : i32 to vector<16xi32>
          %broadcast_in_dim3A_378 = vector.broadcast %jit3A_376 : i32 to vector<16xi32>
          %select_n3A_379 = arith.select %eq3A_375, %broadcast_in_dim3A_377, %broadcast_in_dim3A_378 : vector<16xi1>, vector<16xi32>
          %swap3A = arith.index_cast %mul3A_371 : i32 to index
          %swap3A_380 = tpu.vector_load %arg8[%swap3A] {strides = array<i32>} : memref<1024xi32, #tpu.memory_space<vmem>>, vector<16xi32>,
          tpu.vector_store %arg8[%swap3A], %select_n3A_379 {strides = array<i32>} : memref<1024xi32, #tpu.memory_space<vmem>>, vector<16xi32>,
          %mul3A_381 = arith.constant 4 : i32
          %mul3A_382 = arith.muli %scan3A_364, %mul3A_381 : i32
          %add3A_383 = arith.constant 1 : i32
          %add3A_384 = arith.addi %mul3A_382, %add3A_383 : i32
          %mul3A_385 = arith.constant 16 : i32
          %mul3A_386 = arith.muli %add3A_384, %mul3A_385 : i32
          %get3A_387 = arith.index_cast %mul3A_386 : i32 to index
          %get3A_388 = tpu.vector_load %arg6[%get3A_387] {strides = array<i32>} : memref<1024xi32, #tpu.memory_space<vmem>>, vector<16xi32>,
          %eq3A_389 = arith.constant 0 : i32
          %eq3A_390 = vector.broadcast %eq3A_389 : i32 to vector<16xi32>
          %eq3A_391 = arith.cmpi eq, %get3A_388, %eq3A_390 : vector<16xi32>
          %jit3A_392 = arith.constant 7 : i32
          %broadcast_in_dim3A_393 = vector.broadcast %arg0 : i32 to vector<16xi32>
          %broadcast_in_dim3A_394 = vector.broadcast %jit3A_392 : i32 to vector<16xi32>
          %select_n3A_395 = arith.select %eq3A_391, %broadcast_in_dim3A_393, %broadcast_in_dim3A_394 : vector<16xi1>, vector<16xi32>
          %swap3A_396 = arith.index_cast %mul3A_386 : i32 to index
          %swap3A_397 = tpu.vector_load %arg8[%swap3A_396] {strides = array<i32>} : memref<1024xi32, #tpu.memory_space<vmem>>, vector<16xi32>,
          tpu.vector_store %arg8[%swap3A_396], %select_n3A_395 {strides = array<i32>} : memref<1024xi32, #tpu.memory_space<vmem>>, vector<16xi32>,
          %mul3A_398 = arith.constant 4 : i32
          %mul3A_399 = arith.muli %scan3A_364, %mul3A_398 : i32
          %add3A_400 = arith.constant 2 : i32
          %add3A_401 = arith.addi %mul3A_399, %add3A_400 : i32
          %mul3A_402 = arith.constant 16 : i32
          %mul3A_403 = arith.muli %add3A_401, %mul3A_402 : i32
          %get3A_404 = arith.index_cast %mul3A_403 : i32 to index
          %get3A_405 = tpu.vector_load %arg6[%get3A_404] {strides = array<i32>} : memref<1024xi32, #tpu.memory_space<vmem>>, vector<16xi32>,
          %eq3A_406 = arith.constant 0 : i32
          %eq3A_407 = vector.broadcast %eq3A_406 : i32 to vector<16xi32>
          %eq3A_408 = arith.cmpi eq, %get3A_405, %eq3A_407 : vector<16xi32>
          %jit3A_409 = arith.constant 7 : i32
          %broadcast_in_dim3A_410 = vector.broadcast %arg0 : i32 to vector<16xi32>
          %broadcast_in_dim3A_411 = vector.broadcast %jit3A_409 : i32 to vector<16xi32>
          %select_n3A_412 = arith.select %eq3A_408, %broadcast_in_dim3A_410, %broadcast_in_dim3A_411 : vector<16xi1>, vector<16xi32>
          %swap3A_413 = arith.index_cast %mul3A_403 : i32 to index
          %swap3A_414 = tpu.vector_load %arg8[%swap3A_413] {strides = array<i32>} : memref<1024xi32, #tpu.memory_space<vmem>>, vector<16xi32>,
          tpu.vector_store %arg8[%swap3A_413], %select_n3A_412 {strides = array<i32>} : memref<1024xi32, #tpu.memory_space<vmem>>, vector<16xi32>,
          %mul3A_415 = arith.constant 4 : i32
          %mul3A_416 = arith.muli %scan3A_364, %mul3A_415 : i32
          %add3A_417 = arith.constant 3 : i32
          %add3A_418 = arith.addi %mul3A_416, %add3A_417 : i32
          %mul3A_419 = arith.constant 16 : i32
          %mul3A_420 = arith.muli %add3A_418, %mul3A_419 : i32
          %get3A_421 = arith.index_cast %mul3A_420 : i32 to index
          %get3A_422 = tpu.vector_load %arg6[%get3A_421] {strides = array<i32>} : memref<1024xi32, #tpu.memory_space<vmem>>, vector<16xi32>,
          %eq3A_423 = arith.constant 0 : i32
          %eq3A_424 = vector.broadcast %eq3A_423 : i32 to vector<16xi32>
          %eq3A_425 = arith.cmpi eq, %get3A_422, %eq3A_424 : vector<16xi32>
          %jit3A_426 = arith.constant 7 : i32
          %broadcast_in_dim3A_427 = vector.broadcast %arg0 : i32 to vector<16xi32>
          %broadcast_in_dim3A_428 = vector.broadcast %jit3A_426 : i32 to vector<16xi32>
          %select_n3A_429 = arith.select %eq3A_425, %broadcast_in_dim3A_427, %broadcast_in_dim3A_428 : vector<16xi1>, vector<16xi32>
          %swap3A_430 = arith.index_cast %mul3A_420 : i32 to index
          %swap3A_431 = tpu.vector_load %arg8[%swap3A_430] {strides = array<i32>} : memref<1024xi32, #tpu.memory_space<vmem>>, vector<16xi32>,
          tpu.vector_store %arg8[%swap3A_430], %select_n3A_429 {strides = array<i32>} : memref<1024xi32, #tpu.memory_space<vmem>>, vector<16xi32>,
          %scan3A_432 = arith.constant 0 : i32
          scf.yield %scan3A_432 : i32
        }
        %scan3A_355 = arith.constant 16 : i32
        %dma_start3A_356 = arith.constant 0 : i32
        %dma_start3A_357 = arith.constant 0 : i32
        %dma_start3A_358 = tpu.memref_slice %arg3[%dma_start3A_356, %dma_start3A_357] : memref<1000000x32xf32, #tpu.memory_space<hbm>> -> memref<1000000x32xf32, #tpu.memory_space<hbm>>
        %dma_start3A_359 = arith.constant 0 : i32
        tpu.enqueue_indirect_dma source(%dma_start3A_358 : memref<1000000x32xf32, #tpu.memory_space<hbm>>) target(%arg10 : memref<1024x32xf32, #tpu.memory_space<vmem>>) offsets(%arg6 : memref<1024xi32, #tpu.memory_space<vmem>>) offset_filter(%dma_start3A_359) semaphore(%arg15 : memref<!tpu.dma_semaphore, #tpu.memory_space<semaphore_mem>>)
        %dma_start3A_360 = arith.constant 0 : i32
        %dma_start3A_361 = arith.constant 0 : i32
        %dma_start3A_362 = tpu.memref_slice %arg5[%dma_start3A_360, %dma_start3A_361] : memref<2x32xf32, #tpu.memory_space<hbm>> -> memref<2x32xf32, #tpu.memory_space<hbm>>
        %dma_start3A_363 = arith.constant 7 : i32
        tpu.enqueue_indirect_dma source(%dma_start3A_362 : memref<2x32xf32, #tpu.memory_space<hbm>>) target(%arg10 : memref<1024x32xf32, #tpu.memory_space<vmem>>) offsets(%arg8 : memref<1024xi32, #tpu.memory_space<vmem>>) offset_filter(%dma_start3A_363) semaphore(%arg15 : memref<!tpu.dma_semaphore, #tpu.memory_space<semaphore_mem>>)
      } else {
      }
      %dma_wait3A_194 = arith.constant 0 : i32
      %dma_wait3A_195 = arith.constant 0 : i32
      %dma_wait3A_196 = tpu.memref_slice %arg3[%dma_wait3A_194, %dma_wait3A_195] : memref<1000000x32xf32, #tpu.memory_space<hbm>> -> memref<1000000x32xf32, #tpu.memory_space<hbm>>
      tpu.wait_indirect_dma semaphore(%arg16 : memref<!tpu.dma_semaphore, #tpu.memory_space<semaphore_mem>>) src(%dma_wait3A_196 : memref<1000000x32xf32, #tpu.memory_space<hbm>>) dst(%arg11 : memref<1024x32xf32, #tpu.memory_space<vmem>>)
      %dma_wait3A_197 = arith.constant 0 : i32
      %dma_wait3A_198 = arith.constant 0 : i32
      %dma_wait3A_199 = tpu.memref_slice %arg5[%dma_wait3A_197, %dma_wait3A_198] : memref<2x32xf32, #tpu.memory_space<hbm>> -> memref<2x32xf32, #tpu.memory_space<hbm>>
      tpu.wait_indirect_dma semaphore(%arg16 : memref<!tpu.dma_semaphore, #tpu.memory_space<semaphore_mem>>) src(%dma_wait3A_199 : memref<2x32xf32, #tpu.memory_space<hbm>>) dst(%arg11 : memref<1024x32xf32, #tpu.memory_space<vmem>>)
      %lt3A_200 = arith.constant 98 : i32
      %lt3A_201 = arith.cmpi slt, %add3A_188, %lt3A_200 : i32
      %convert_element_type3A_202 = arith.extui %lt3A_201 : i1 to i32
      %cond3A_203 = arith.constant 0 : i32
      %cond3A_204 = arith.cmpi ne, %convert_element_type3A_202, %cond3A_203 : i32
      scf.if %cond3A_204 {
        %add3A_298 = arith.constant 2 : i32
        %add3A_299 = arith.addi %add3A_188, %add3A_298 : i32
        %jit3A_300 = arith.constant 4 : i32
        %div3A_301 = arith.divsi %add3A_299, %jit3A_300 : i32
        %sign3A_302 = arith.constant 0 : i32
        %sign3A_303 = arith.cmpi sgt, %add3A_299, %sign3A_302 : i32
        %sign3A_304 = arith.extui %sign3A_303 : i1 to i32
        %sign3A_305 = arith.constant 0 : i32
        %sign3A_306 = arith.cmpi slt, %add3A_299, %sign3A_305 : i32
        %sign3A_307 = arith.extui %sign3A_306 : i1 to i32
        %sign3A_308 = arith.subi %sign3A_304, %sign3A_307 : i32
        %sign3A_309 = arith.constant 0 : i32
        %sign3A_310 = arith.cmpi sgt, %jit3A_300, %sign3A_309 : i32
        %sign3A_311 = arith.extui %sign3A_310 : i1 to i32
        %sign3A_312 = arith.constant 0 : i32
        %sign3A_313 = arith.cmpi slt, %jit3A_300, %sign3A_312 : i32
        %sign3A_314 = arith.extui %sign3A_313 : i1 to i32
        %sign3A_315 = arith.subi %sign3A_311, %sign3A_314 : i32
        %ne3A_316 = arith.cmpi ne, %sign3A_308, %sign3A_315 : i32
        %rem3A_317 = arith.remsi %add3A_299, %jit3A_300 : i32
        %ne3A_318 = arith.constant 0 : i32
        %ne3A_319 = arith.cmpi ne, %rem3A_317, %ne3A_318 : i32
        %and3A_320 = arith.andi %ne3A_316, %ne3A_319 : i1
        %sub3A_321 = arith.constant 1 : i32
        %sub3A_322 = arith.subi %div3A_301, %sub3A_321 : i32
        %select_n3A_323 = arith.select %and3A_320, %sub3A_322, %div3A_301 : i32
        %mul3A_324 = arith.constant 4 : i32
        %mul3A_325 = arith.muli %add3A, %mul3A_324 : i32
        %jit3A_326 = arith.constant 4 : i32
        %eq3A_327 = arith.constant 0 : i32
        %eq3A_328 = arith.cmpi eq, %jit3A_326, %eq3A_327 : i32
        %jit3A_329 = arith.constant 1 : i32
        %select_n3A_330 = arith.select %eq3A_328, %jit3A_329, %jit3A_326 : i32
        %rem3A_331 = arith.remsi %add3A_299, %select_n3A_330 : i32
        %ne3A_332 = arith.constant 0 : i32
        %ne3A_333 = arith.cmpi ne, %rem3A_331, %ne3A_332 : i32
        %lt3A_334 = arith.constant 0 : i32
        %lt3A_335 = arith.cmpi slt, %rem3A_331, %lt3A_334 : i32
        %lt3A_336 = arith.constant 0 : i32
        %lt3A_337 = arith.cmpi slt, %select_n3A_330, %lt3A_336 : i32
        %ne3A_338 = arith.xori %lt3A_335, %lt3A_337 : i1
        %and3A_339 = arith.andi %ne3A_338, %ne3A_333 : i1
        %add3A_340 = arith.addi %rem3A_331, %select_n3A_330 : i32
        %select_n3A_341 = arith.select %and3A_339, %add3A_340, %rem3A_331 : i32
        %add3A_342 = arith.addi %mul3A_325, %select_n3A_341 : i32
        %dma_start3A_343 = arith.constant 0 : i32
        %dma_start3A_344 = tpu.memref_slice %arg2[%select_n3A_323, %add3A_342, %dma_start3A_343] : memref<25x128x1024xi32, #tpu.memory_space<hbm>> -> memref<1x1x1024xi32, #tpu.memory_space<hbm>>
        %dma_start3A_345 = tpu.memref_squeeze %dma_start3A_344 : memref<1x1x1024xi32, #tpu.memory_space<hbm>> -> memref<1024xi32, #tpu.memory_space<hbm>>
        %dma_start3A_346 = arith.constant 0 : i32
        %dma_start3A_347 = tpu.memref_slice %arg2[%select_n3A_323, %add3A_342, %dma_start3A_346] : memref<25x128x1024xi32, #tpu.memory_space<hbm>> -> memref<1x1x1024xi32, #tpu.memory_space<hbm>>
        %dma_start3A_348 = tpu.memref_squeeze %dma_start3A_347 : memref<1x1x1024xi32, #tpu.memory_space<hbm>> -> memref<1024xi32, #tpu.memory_space<hbm>>
        tpu.enqueue_dma source(%dma_start3A_348 : memref<1024xi32, #tpu.memory_space<hbm>>) target(%arg7 : memref<1024xi32, #tpu.memory_space<vmem>>) target_semaphore(%arg14 : memref<!tpu.dma_semaphore, #tpu.memory_space<semaphore_mem>>)
      } else {
      }
      %ge3A_205 = arith.constant 1 : i32
      %ge3A_206 = arith.cmpi sge, %add3A_188, %ge3A_205 : i32
      %convert_element_type3A_207 = arith.extui %ge3A_206 : i1 to i32
      %cond3A_208 = arith.constant 0 : i32
      %cond3A_209 = arith.cmpi ne, %convert_element_type3A_207, %cond3A_208 : i32
      scf.if %cond3A_209 {
        %sub3A_298 = arith.constant 1 : i32
        %sub3A_299 = arith.subi %add3A_188, %sub3A_298 : i32
        %scan3A_300 = arith.constant 0 : i32
        %scan3A_301 = arith.constant 0 : i32
        %scan3A_302 = arith.constant 32 : i32
        %scan3A_303 = arith.addi %scan3A_301, %scan3A_302 : i32
        %scan3A_304 = arith.constant 1 : i32
        %scan3A_305 = scf.for %scan3A_307 = %scan3A_301 to %scan3A_303 step %scan3A_304 iter_args(%scan3A_308 = %scan3A_300) -> (i32)  : i32 {
          %jit3A_309 = arith.constant 4 : i32
          %div3A_310 = arith.divsi %sub3A_299, %jit3A_309 : i32
          %sign3A_311 = arith.constant 0 : i32
          %sign3A_312 = arith.cmpi sgt, %sub3A_299, %sign3A_311 : i32
          %sign3A_313 = arith.extui %sign3A_312 : i1 to i32
          %sign3A_314 = arith.constant 0 : i32
          %sign3A_315 = arith.cmpi slt, %sub3A_299, %sign3A_314 : i32
          %sign3A_316 = arith.extui %sign3A_315 : i1 to i32
          %sign3A_317 = arith.subi %sign3A_313, %sign3A_316 : i32
          %sign3A_318 = arith.constant 0 : i32
          %sign3A_319 = arith.cmpi sgt, %jit3A_309, %sign3A_318 : i32
          %sign3A_320 = arith.extui %sign3A_319 : i1 to i32
          %sign3A_321 = arith.constant 0 : i32
          %sign3A_322 = arith.cmpi slt, %jit3A_309, %sign3A_321 : i32
          %sign3A_323 = arith.extui %sign3A_322 : i1 to i32
          %sign3A_324 = arith.subi %sign3A_320, %sign3A_323 : i32
          %ne3A_325 = arith.cmpi ne, %sign3A_317, %sign3A_324 : i32
          %rem3A_326 = arith.remsi %sub3A_299, %jit3A_309 : i32
          %ne3A_327 = arith.constant 0 : i32
          %ne3A_328 = arith.cmpi ne, %rem3A_326, %ne3A_327 : i32
          %and3A_329 = arith.andi %ne3A_325, %ne3A_328 : i1
          %sub3A_330 = arith.constant 1 : i32
          %sub3A_331 = arith.subi %div3A_310, %sub3A_330 : i32
          %select_n3A_332 = arith.select %and3A_329, %sub3A_331, %div3A_310 : i32
          %mul3A_333 = arith.constant 4 : i32
          %mul3A_334 = arith.muli %add3A, %mul3A_333 : i32
          %jit3A_335 = arith.constant 4 : i32
          %eq3A_336 = arith.constant 0 : i32
          %eq3A_337 = arith.cmpi eq, %jit3A_335, %eq3A_336 : i32
          %jit3A_338 = arith.constant 1 : i32
          %select_n3A_339 = arith.select %eq3A_337, %jit3A_338, %jit3A_335 : i32
          %rem3A_340 = arith.remsi %sub3A_299, %select_n3A_339 : i32
          %ne3A_341 = arith.constant 0 : i32
          %ne3A_342 = arith.cmpi ne, %rem3A_340, %ne3A_341 : i32
          %lt3A_343 = arith.constant 0 : i32
          %lt3A_344 = arith.cmpi slt, %rem3A_340, %lt3A_343 : i32
          %lt3A_345 = arith.constant 0 : i32
          %lt3A_346 = arith.cmpi slt, %select_n3A_339, %lt3A_345 : i32
          %ne3A_347 = arith.xori %lt3A_344, %lt3A_346 : i1
          %and3A_348 = arith.andi %ne3A_347, %ne3A_342 : i1
          %add3A_349 = arith.addi %rem3A_340, %select_n3A_339 : i32
          %select_n3A_350 = arith.select %and3A_348, %add3A_349, %rem3A_340 : i32
          %add3A_351 = arith.addi %mul3A_334, %select_n3A_350 : i32
          %jit3A_352 = arith.constant 4 : i32
          %div3A_353 = arith.divsi %scan3A_307, %jit3A_352 : i32
          %sign3A_354 = arith.constant 0 : i32
          %sign3A_355 = arith.cmpi sgt, %scan3A_307, %sign3A_354 : i32
          %sign3A_356 = arith.extui %sign3A_355 : i1 to i32
          %sign3A_357 = arith.constant 0 : i32
          %sign3A_358 = arith.cmpi slt, %scan3A_307, %sign3A_357 : i32
          %sign3A_359 = arith.extui %sign3A_358 : i1 to i32
          %sign3A_360 = arith.subi %sign3A_356, %sign3A_359 : i32
          %sign3A_361 = arith.constant 0 : i32
          %sign3A_362 = arith.cmpi sgt, %jit3A_352, %sign3A_361 : i32
          %sign3A_363 = arith.extui %sign3A_362 : i1 to i32
          %sign3A_364 = arith.constant 0 : i32
          %sign3A_365 = arith.cmpi slt, %jit3A_352, %sign3A_364 : i32
          %sign3A_366 = arith.extui %sign3A_365 : i1 to i32
          %sign3A_367 = arith.subi %sign3A_363, %sign3A_366 : i32
          %ne3A_368 = arith.cmpi ne, %sign3A_360, %sign3A_367 : i32
          %rem3A_369 = arith.remsi %scan3A_307, %jit3A_352 : i32
          %ne3A_370 = arith.constant 0 : i32
          %ne3A_371 = arith.cmpi ne, %rem3A_369, %ne3A_370 : i32
          %and3A_372 = arith.andi %ne3A_368, %ne3A_371 : i1
          %sub3A_373 = arith.constant 1 : i32
          %sub3A_374 = arith.subi %div3A_353, %sub3A_373 : i32
          %select_n3A_375 = arith.select %and3A_372, %sub3A_374, %div3A_353 : i32
          %jit3A_376 = arith.constant 4 : i32
          %eq3A_377 = arith.constant 0 : i32
          %eq3A_378 = arith.cmpi eq, %jit3A_376, %eq3A_377 : i32
          %jit3A_379 = arith.constant 1 : i32
          %select_n3A_380 = arith.select %eq3A_378, %jit3A_379, %jit3A_376 : i32
          %rem3A_381 = arith.remsi %scan3A_307, %select_n3A_380 : i32
          %ne3A_382 = arith.constant 0 : i32
          %ne3A_383 = arith.cmpi ne, %rem3A_381, %ne3A_382 : i32
          %lt3A_384 = arith.constant 0 : i32
          %lt3A_385 = arith.cmpi slt, %rem3A_381, %lt3A_384 : i32
          %lt3A_386 = arith.constant 0 : i32
          %lt3A_387 = arith.cmpi slt, %select_n3A_380, %lt3A_386 : i32
          %ne3A_388 = arith.xori %lt3A_385, %lt3A_387 : i1
          %and3A_389 = arith.andi %ne3A_388, %ne3A_383 : i1
          %add3A_390 = arith.addi %rem3A_381, %select_n3A_380 : i32
          %select_n3A_391 = arith.select %and3A_389, %add3A_390, %rem3A_381 : i32
          %mul3A_392 = arith.constant 8 : i32
          %mul3A_393 = arith.muli %scan3A_307, %mul3A_392 : i32
          %mul3A_394 = arith.constant 8 : i32
          %mul3A_395 = arith.muli %select_n3A_332, %mul3A_394 : i32
          %add3A_396 = arith.addi %mul3A_395, %select_n3A_375 : i32
          %dma_wait3A_397 = arith.constant 0 : i32
          %dma_wait3A_398 = tpu.memref_slice %arg12[%mul3A_393, %dma_wait3A_397] : memref<256x129xf32, #tpu.memory_space<vmem>> -> memref<8x128xf32, #tpu.memory_space<vmem>>
          %dma_wait3A_399 = arith.constant 0 : i32
          %dma_wait3A_400 = arith.constant 0 : i32
          %dma_wait3A_401 = tpu.memref_slice %arg4[%add3A_396, %select_n3A_391, %add3A_351, %dma_wait3A_399, %dma_wait3A_400] : memref<200x4x128x8x128xf32, #tpu.memory_space<hbm>> -> memref<1x1x1x8x128xf32, #tpu.memory_space<hbm>>
          %dma_wait3A_402 = tpu.memref_squeeze %dma_wait3A_401 : memref<1x1x1x8x128xf32, #tpu.memory_space<hbm>> -> memref<8x128xf32, #tpu.memory_space<hbm>>
          %dma_wait3A_403 = arith.constant 0 : i32
          %dma_wait3A_404 = arith.constant 0 : i32
          %dma_wait3A_405 = tpu.memref_slice %arg4[%add3A_396, %select_n3A_391, %add3A_351, %dma_wait3A_403, %dma_wait3A_404] : memref<200x4x128x8x128xf32, #tpu.memory_space<hbm>> -> memref<1x1x1x8x128xf32, #tpu.memory_space<hbm>>
          %dma_wait3A_406 = tpu.memref_squeeze %dma_wait3A_405 : memref<1x1x1x8x128xf32, #tpu.memory_space<hbm>> -> memref<8x128xf32, #tpu.memory_space<hbm>>
          %dma_wait3A_407 = arith.constant 0 : i32
          %dma_wait3A_408 = tpu.memref_slice %arg12[%mul3A_393, %dma_wait3A_407] : memref<256x129xf32, #tpu.memory_space<vmem>> -> memref<8x128xf32, #tpu.memory_space<vmem>>
          tpu.wait_dma2 semaphore(%arg17 : memref<!tpu.dma_semaphore, #tpu.memory_space<semaphore_mem>>) src(%dma_wait3A_408 : memref<8x128xf32, #tpu.memory_space<vmem>>) dst(%dma_wait3A_406 : memref<8x128xf32, #tpu.memory_space<hbm>>)
          %scan3A_409 = arith.constant 0 : i32
          scf.yield %scan3A_409 : i32
        }
        %scan3A_306 = arith.constant 32 : i32
      } else {
      }
      %iota3A_210 = tpu.iota {dimensions = array<i32: 0>} : vector<16xi32>
      %add3A_211 = arith.constant 0 : i32
      %add3A_212 = vector.broadcast %add3A_211 : i32 to vector<16xi32>
      %add3A_213 = arith.addi %add3A_212, %iota3A_210 : vector<16xi32>
      %jit3A_214 = arith.constant 8 : i32
      %div3A_215 = vector.broadcast %jit3A_214 : i32 to vector<16xi32>
      %div3A_216 = arith.divsi %add3A_213, %div3A_215 : vector<16xi32>
      %sign3A_217 = arith.constant 0 : i32
      %sign3A_218 = vector.broadcast %sign3A_217 : i32 to vector<16xi32>
      %sign3A_219 = arith.cmpi sgt, %add3A_213, %sign3A_218 : vector<16xi32>
      %sign3A_220 = arith.extui %sign3A_219 : vector<16xi1> to vector<16xi32>
      %sign3A_221 = arith.constant 0 : i32
      %sign3A_222 = vector.broadcast %sign3A_221 : i32 to vector<16xi32>
      %sign3A_223 = arith.cmpi slt, %add3A_213, %sign3A_222 : vector<16xi32>
      %sign3A_224 = arith.extui %sign3A_223 : vector<16xi1> to vector<16xi32>
      %sign3A_225 = arith.subi %sign3A_220, %sign3A_224 : vector<16xi32>
      %sign3A_226 = arith.constant 0 : i32
      %sign3A_227 = arith.cmpi sgt, %jit3A_214, %sign3A_226 : i32
      %sign3A_228 = arith.extui %sign3A_227 : i1 to i32
      %sign3A_229 = arith.constant 0 : i32
      %sign3A_230 = arith.cmpi slt, %jit3A_214, %sign3A_229 : i32
      %sign3A_231 = arith.extui %sign3A_230 : i1 to i32
      %sign3A_232 = arith.subi %sign3A_228, %sign3A_231 : i32
      %ne3A_233 = vector.broadcast %sign3A_232 : i32 to vector<16xi32>
      %ne3A_234 = arith.cmpi ne, %sign3A_225, %ne3A_233 : vector<16xi32>
      %rem3A_235 = vector.broadcast %jit3A_214 : i32 to vector<16xi32>
      %rem3A_236 = arith.remsi %add3A_213, %rem3A_235 : vector<16xi32>
      %ne3A_237 = arith.constant 0 : i32
      %ne3A_238 = vector.broadcast %ne3A_237 : i32 to vector<16xi32>
      %ne3A_239 = arith.cmpi ne, %rem3A_236, %ne3A_238 : vector<16xi32>
      %and3A_240 = arith.andi %ne3A_234, %ne3A_239 : vector<16xi1>
      %sub3A_241 = arith.constant 1 : i32
      %sub3A_242 = vector.broadcast %sub3A_241 : i32 to vector<16xi32>
      %sub3A_243 = arith.subi %div3A_216, %sub3A_242 : vector<16xi32>
      %select_n3A_244 = arith.select %and3A_240, %sub3A_243, %div3A_216 : vector<16xi1>, vector<16xi32>
      %mul3A_245 = arith.constant 8 : i32
      %mul3A_246 = vector.broadcast %mul3A_245 : i32 to vector<16xi32>
      %mul3A_247 = arith.muli %select_n3A_244, %mul3A_246 : vector<16xi32>
      %add3A_248 = arith.addi %mul3A_247, %select_n3A_15 : vector<16xi32>
      %iota3A_249 = tpu.iota {dimensions = array<i32: 0>} : vector<16xi32>
      %add3A_250 = arith.constant 16 : i32
      %add3A_251 = vector.broadcast %add3A_250 : i32 to vector<16xi32>
      %add3A_252 = arith.addi %add3A_251, %iota3A_249 : vector<16xi32>
      %jit3A_253 = arith.constant 8 : i32
      %div3A_254 = vector.broadcast %jit3A_253 : i32 to vector<16xi32>
      %div3A_255 = arith.divsi %add3A_252, %div3A_254 : vector<16xi32>
      %sign3A_256 = arith.constant 0 : i32
      %sign3A_257 = vector.broadcast %sign3A_256 : i32 to vector<16xi32>
      %sign3A_258 = arith.cmpi sgt, %add3A_252, %sign3A_257 : vector<16xi32>
      %sign3A_259 = arith.extui %sign3A_258 : vector<16xi1> to vector<16xi32>
      %sign3A_260 = arith.constant 0 : i32
      %sign3A_261 = vector.broadcast %sign3A_260 : i32 to vector<16xi32>
      %sign3A_262 = arith.cmpi slt, %add3A_252, %sign3A_261 : vector<16xi32>
      %sign3A_263 = arith.extui %sign3A_262 : vector<16xi1> to vector<16xi32>
      %sign3A_264 = arith.subi %sign3A_259, %sign3A_263 : vector<16xi32>
      %sign3A_265 = arith.constant 0 : i32
      %sign3A_266 = arith.cmpi sgt, %jit3A_253, %sign3A_265 : i32
      %sign3A_267 = arith.extui %sign3A_266 : i1 to i32
      %sign3A_268 = arith.constant 0 : i32
      %sign3A_269 = arith.cmpi slt, %jit3A_253, %sign3A_268 : i32
      %sign3A_270 = arith.extui %sign3A_269 : i1 to i32
      %sign3A_271 = arith.subi %sign3A_267, %sign3A_270 : i32
      %ne3A_272 = vector.broadcast %sign3A_271 : i32 to vector<16xi32>
      %ne3A_273 = arith.cmpi ne, %sign3A_264, %ne3A_272 : vector<16xi32>
      %rem3A_274 = vector.broadcast %jit3A_253 : i32 to vector<16xi32>
      %rem3A_275 = arith.remsi %add3A_252, %rem3A_274 : vector<16xi32>
      %ne3A_276 = arith.constant 0 : i32
      %ne3A_277 = vector.broadcast %ne3A_276 : i32 to vector<16xi32>
      %ne3A_278 = arith.cmpi ne, %rem3A_275, %ne3A_277 : vector<16xi32>
      %and3A_279 = arith.andi %ne3A_273, %ne3A_278 : vector<16xi1>
      %sub3A_280 = arith.constant 1 : i32
      %sub3A_281 = vector.broadcast %sub3A_280 : i32 to vector<16xi32>
      %sub3A_282 = arith.subi %div3A_255, %sub3A_281 : vector<16xi32>
      %select_n3A_283 = arith.select %and3A_279, %sub3A_282, %div3A_255 : vector<16xi1>, vector<16xi32>
      %mul3A_284 = arith.constant 8 : i32
      %mul3A_285 = vector.broadcast %mul3A_284 : i32 to vector<16xi32>
      %mul3A_286 = arith.muli %select_n3A_283, %mul3A_285 : vector<16xi32>
      %add3A_287 = arith.addi %mul3A_286, %select_n3A_15 : vector<16xi32>
      %broadcast_in_dim3A_288 = arith.constant 1 : i32
      %broadcast_in_dim3A_289 = vector.broadcast %broadcast_in_dim3A_288 : i32 to vector<16xi32>
      %scan3A_290 = arith.constant 0 : i32
      %scan3A_291 = arith.constant 0 : i32
      %scan3A_292 = arith.constant 8 : i32
      %scan3A_293 = arith.addi %scan3A_291, %scan3A_292 : i32
      %scan3A_294 = arith.constant 1 : i32
      %scan3A_295 = scf.for %scan3A_298 = %scan3A_291 to %scan3A_293 step %scan3A_294 iter_args(%scan3A_299 = %scan3A_290) -> (i32)  : i32 {
        %mul3A_300 = arith.constant 32 : i32
        %mul3A_301 = arith.muli %scan3A_298, %mul3A_300 : i32
        %broadcast_in_dim3A_302 = vector.broadcast %mul3A_301 : i32 to vector<16xi32>
        %add3A_303 = arith.addi %add3A_248, %broadcast_in_dim3A_302 : vector<16xi32>
        %add3A_304 = arith.addi %add3A_287, %broadcast_in_dim3A_302 : vector<16xi32>
        %iota3A_305 = tpu.iota {dimensions = array<i32: 0>} : vector<16xi32>
        %mul3A_306 = arith.constant 0 : i32
        %mul3A_307 = vector.broadcast %mul3A_306 : i32 to vector<16xi32>
        %mul3A_308 = arith.muli %iota3A_305, %mul3A_307 : vector<16xi32>
        %scan3A_309 = arith.constant 0 : i32
        %scan3A_310 = arith.constant 16 : i32
        %scan3A_311 = arith.addi %scan3A_309, %scan3A_310 : i32
        %scan3A_312 = arith.constant 1 : i32
        %scan3A_313 = scf.for %scan3A_323 = %scan3A_309 to %scan3A_311 step %scan3A_312 iter_args(%scan3A_324 = %mul3A_308) -> (vector<16xi32>)  : i32 {
          %mul3A_325 = arith.constant 128 : i32
          %mul3A_326 = arith.muli %scan3A_298, %mul3A_325 : i32
          %mul3A_327 = arith.constant 8 : i32
          %mul3A_328 = arith.muli %scan3A_323, %mul3A_327 : i32
          %add3A_329 = arith.addi %mul3A_326, %mul3A_328 : i32
          %add3A_330 = arith.constant 0 : i32
          %add3A_331 = arith.addi %add3A_329, %add3A_330 : i32
          %get3A = arith.index_cast %add3A_331 : i32 to index
          %get3A_332 = arith.constant 0 : index
          %get3A_333 = tpu.vector_load %arg11[%get3A, %get3A_332] {strides = array<i32>} : memref<1024x32xf32, #tpu.memory_space<vmem>>, vector<16xf32>,
          tpu.vector_store_idx %arg12[%add3A_303, %scan3A_324], %get3A_333 : memref<256x129xf32, #tpu.memory_space<vmem>>[vector<16xi32>, vector<16xi32>], vector<16xf32>,
          %get3A_334 = arith.index_cast %add3A_331 : i32 to index
          %get3A_335 = arith.constant 16 : index
          %get3A_336 = tpu.vector_load %arg11[%get3A_334, %get3A_335] {strides = array<i32>} : memref<1024x32xf32, #tpu.memory_space<vmem>>, vector<16xf32>,
          tpu.vector_store_idx %arg12[%add3A_304, %scan3A_324], %get3A_336 : memref<256x129xf32, #tpu.memory_space<vmem>>[vector<16xi32>, vector<16xi32>], vector<16xf32>,
          %add3A_337 = arith.addi %scan3A_324, %broadcast_in_dim3A_289 : vector<16xi32>
          %mul3A_338 = arith.constant 128 : i32
          %mul3A_339 = arith.muli %scan3A_298, %mul3A_338 : i32
          %mul3A_340 = arith.constant 8 : i32
          %mul3A_341 = arith.muli %scan3A_323, %mul3A_340 : i32
          %add3A_342 = arith.addi %mul3A_339, %mul3A_341 : i32
          %add3A_343 = arith.constant 1 : i32
          %add3A_344 = arith.addi %add3A_342, %add3A_343 : i32
          %get3A_345 = arith.index_cast %add3A_344 : i32 to index
          %get3A_346 = arith.constant 0 : index
          %get3A_347 = tpu.vector_load %arg11[%get3A_345, %get3A_346] {strides = array<i32>} : memref<1024x32xf32, #tpu.memory_space<vmem>>, vector<16xf32>,
          tpu.vector_store_idx %arg12[%add3A_303, %add3A_337], %get3A_347 : memref<256x129xf32, #tpu.memory_space<vmem>>[vector<16xi32>, vector<16xi32>], vector<16xf32>,
          %get3A_348 = arith.index_cast %add3A_344 : i32 to index
          %get3A_349 = arith.constant 16 : index
          %get3A_350 = tpu.vector_load %arg11[%get3A_348, %get3A_349] {strides = array<i32>} : memref<1024x32xf32, #tpu.memory_space<vmem>>, vector<16xf32>,
          tpu.vector_store_idx %arg12[%add3A_304, %add3A_337], %get3A_350 : memref<256x129xf32, #tpu.memory_space<vmem>>[vector<16xi32>, vector<16xi32>], vector<16xf32>,
          %add3A_351 = arith.addi %add3A_337, %broadcast_in_dim3A_289 : vector<16xi32>
          %mul3A_352 = arith.constant 128 : i32
          %mul3A_353 = arith.muli %scan3A_298, %mul3A_352 : i32
          %mul3A_354 = arith.constant 8 : i32
          %mul3A_355 = arith.muli %scan3A_323, %mul3A_354 : i32
          %add3A_356 = arith.addi %mul3A_353, %mul3A_355 : i32
          %add3A_357 = arith.constant 2 : i32
          %add3A_358 = arith.addi %add3A_356, %add3A_357 : i32
          %get3A_359 = arith.index_cast %add3A_358 : i32 to index
          %get3A_360 = arith.constant 0 : index
          %get3A_361 = tpu.vector_load %arg11[%get3A_359, %get3A_360] {strides = array<i32>} : memref<1024x32xf32, #tpu.memory_space<vmem>>, vector<16xf32>,
          tpu.vector_store_idx %arg12[%add3A_303, %add3A_351], %get3A_361 : memref<256x129xf32, #tpu.memory_space<vmem>>[vector<16xi32>, vector<16xi32>], vector<16xf32>,
          %get3A_362 = arith.index_cast %add3A_358 : i32 to index
          %get3A_363 = arith.constant 16 : index
          %get3A_364 = tpu.vector_load %arg11[%get3A_362, %get3A_363] {strides = array<i32>} : memref<1024x32xf32, #tpu.memory_space<vmem>>, vector<16xf32>,
          tpu.vector_store_idx %arg12[%add3A_304, %add3A_351], %get3A_364 : memref<256x129xf32, #tpu.memory_space<vmem>>[vector<16xi32>, vector<16xi32>], vector<16xf32>,
          %add3A_365 = arith.addi %add3A_351, %broadcast_in_dim3A_289 : vector<16xi32>
          %mul3A_366 = arith.constant 128 : i32
          %mul3A_367 = arith.muli %scan3A_298, %mul3A_366 : i32
          %mul3A_368 = arith.constant 8 : i32
          %mul3A_369 = arith.muli %scan3A_323, %mul3A_368 : i32
          %add3A_370 = arith.addi %mul3A_367, %mul3A_369 : i32
          %add3A_371 = arith.constant 3 : i32
          %add3A_372 = arith.addi %add3A_370, %add3A_371 : i32
          %get3A_373 = arith.index_cast %add3A_372 : i32 to index
          %get3A_374 = arith.constant 0 : index
          %get3A_375 = tpu.vector_load %arg11[%get3A_373, %get3A_374] {strides = array<i32>} : memref<1024x32xf32, #tpu.memory_space<vmem>>, vector<16xf32>,
          tpu.vector_store_idx %arg12[%add3A_303, %add3A_365], %get3A_375 : memref<256x129xf32, #tpu.memory_space<vmem>>[vector<16xi32>, vector<16xi32>], vector<16xf32>,
          %get3A_376 = arith.index_cast %add3A_372 : i32 to index
          %get3A_377 = arith.constant 16 : index
          %get3A_378 = tpu.vector_load %arg11[%get3A_376, %get3A_377] {strides = array<i32>} : memref<1024x32xf32, #tpu.memory_space<vmem>>, vector<16xf32>,
          tpu.vector_store_idx %arg12[%add3A_304, %add3A_365], %get3A_378 : memref<256x129xf32, #tpu.memory_space<vmem>>[vector<16xi32>, vector<16xi32>], vector<16xf32>,
          %add3A_379 = arith.addi %add3A_365, %broadcast_in_dim3A_289 : vector<16xi32>
          %mul3A_380 = arith.constant 128 : i32
          %mul3A_381 = arith.muli %scan3A_298, %mul3A_380 : i32
          %mul3A_382 = arith.constant 8 : i32
          %mul3A_383 = arith.muli %scan3A_323, %mul3A_382 : i32
          %add3A_384 = arith.addi %mul3A_381, %mul3A_383 : i32
          %add3A_385 = arith.constant 4 : i32
          %add3A_386 = arith.addi %add3A_384, %add3A_385 : i32
          %get3A_387 = arith.index_cast %add3A_386 : i32 to index
          %get3A_388 = arith.constant 0 : index
          %get3A_389 = tpu.vector_load %arg11[%get3A_387, %get3A_388] {strides = array<i32>} : memref<1024x32xf32, #tpu.memory_space<vmem>>, vector<16xf32>,
          tpu.vector_store_idx %arg12[%add3A_303, %add3A_379], %get3A_389 : memref<256x129xf32, #tpu.memory_space<vmem>>[vector<16xi32>, vector<16xi32>], vector<16xf32>,
          %get3A_390 = arith.index_cast %add3A_386 : i32 to index
          %get3A_391 = arith.constant 16 : index
          %get3A_392 = tpu.vector_load %arg11[%get3A_390, %get3A_391] {strides = array<i32>} : memref<1024x32xf32, #tpu.memory_space<vmem>>, vector<16xf32>,
          tpu.vector_store_idx %arg12[%add3A_304, %add3A_379], %get3A_392 : memref<256x129xf32, #tpu.memory_space<vmem>>[vector<16xi32>, vector<16xi32>], vector<16xf32>,
          %add3A_393 = arith.addi %add3A_379, %broadcast_in_dim3A_289 : vector<16xi32>
          %mul3A_394 = arith.constant 128 : i32
          %mul3A_395 = arith.muli %scan3A_298, %mul3A_394 : i32
          %mul3A_396 = arith.constant 8 : i32
          %mul3A_397 = arith.muli %scan3A_323, %mul3A_396 : i32
          %add3A_398 = arith.addi %mul3A_395, %mul3A_397 : i32
          %add3A_399 = arith.constant 5 : i32
          %add3A_400 = arith.addi %add3A_398, %add3A_399 : i32
          %get3A_401 = arith.index_cast %add3A_400 : i32 to index
          %get3A_402 = arith.constant 0 : index
          %get3A_403 = tpu.vector_load %arg11[%get3A_401, %get3A_402] {strides = array<i32>} : memref<1024x32xf32, #tpu.memory_space<vmem>>, vector<16xf32>,
          tpu.vector_store_idx %arg12[%add3A_303, %add3A_393], %get3A_403 : memref<256x129xf32, #tpu.memory_space<vmem>>[vector<16xi32>, vector<16xi32>], vector<16xf32>,
          %get3A_404 = arith.index_cast %add3A_400 : i32 to index
          %get3A_405 = arith.constant 16 : index
          %get3A_406 = tpu.vector_load %arg11[%get3A_404, %get3A_405] {strides = array<i32>} : memref<1024x32xf32, #tpu.memory_space<vmem>>, vector<16xf32>,
          tpu.vector_store_idx %arg12[%add3A_304, %add3A_393], %get3A_406 : memref<256x129xf32, #tpu.memory_space<vmem>>[vector<16xi32>, vector<16xi32>], vector<16xf32>,
          %add3A_407 = arith.addi %add3A_393, %broadcast_in_dim3A_289 : vector<16xi32>
          %mul3A_408 = arith.constant 128 : i32
          %mul3A_409 = arith.muli %scan3A_298, %mul3A_408 : i32
          %mul3A_410 = arith.constant 8 : i32
          %mul3A_411 = arith.muli %scan3A_323, %mul3A_410 : i32
          %add3A_412 = arith.addi %mul3A_409, %mul3A_411 : i32
          %add3A_413 = arith.constant 6 : i32
          %add3A_414 = arith.addi %add3A_412, %add3A_413 : i32
          %get3A_415 = arith.index_cast %add3A_414 : i32 to index
          %get3A_416 = arith.constant 0 : index
          %get3A_417 = tpu.vector_load %arg11[%get3A_415, %get3A_416] {strides = array<i32>} : memref<1024x32xf32, #tpu.memory_space<vmem>>, vector<16xf32>,
          tpu.vector_store_idx %arg12[%add3A_303, %add3A_407], %get3A_417 : memref<256x129xf32, #tpu.memory_space<vmem>>[vector<16xi32>, vector<16xi32>], vector<16xf32>,
          %get3A_418 = arith.index_cast %add3A_414 : i32 to index
          %get3A_419 = arith.constant 16 : index
          %get3A_420 = tpu.vector_load %arg11[%get3A_418, %get3A_419] {strides = array<i32>} : memref<1024x32xf32, #tpu.memory_space<vmem>>, vector<16xf32>,
          tpu.vector_store_idx %arg12[%add3A_304, %add3A_407], %get3A_420 : memref<256x129xf32, #tpu.memory_space<vmem>>[vector<16xi32>, vector<16xi32>], vector<16xf32>,
          %add3A_421 = arith.addi %add3A_407, %broadcast_in_dim3A_289 : vector<16xi32>
          %mul3A_422 = arith.constant 128 : i32
          %mul3A_423 = arith.muli %scan3A_298, %mul3A_422 : i32
          %mul3A_424 = arith.constant 8 : i32
          %mul3A_425 = arith.muli %scan3A_323, %mul3A_424 : i32
          %add3A_426 = arith.addi %mul3A_423, %mul3A_425 : i32
          %add3A_427 = arith.constant 7 : i32
          %add3A_428 = arith.addi %add3A_426, %add3A_427 : i32
          %get3A_429 = arith.index_cast %add3A_428 : i32 to index
          %get3A_430 = arith.constant 0 : index
          %get3A_431 = tpu.vector_load %arg11[%get3A_429, %get3A_430] {strides = array<i32>} : memref<1024x32xf32, #tpu.memory_space<vmem>>, vector<16xf32>,
          tpu.vector_store_idx %arg12[%add3A_303, %add3A_421], %get3A_431 : memref<256x129xf32, #tpu.memory_space<vmem>>[vector<16xi32>, vector<16xi32>], vector<16xf32>,
          %get3A_432 = arith.index_cast %add3A_428 : i32 to index
          %get3A_433 = arith.constant 16 : index
          %get3A_434 = tpu.vector_load %arg11[%get3A_432, %get3A_433] {strides = array<i32>} : memref<1024x32xf32, #tpu.memory_space<vmem>>, vector<16xf32>,
          tpu.vector_store_idx %arg12[%add3A_304, %add3A_421], %get3A_434 : memref<256x129xf32, #tpu.memory_space<vmem>>[vector<16xi32>, vector<16xi32>], vector<16xf32>,
          %add3A_435 = arith.addi %add3A_421, %broadcast_in_dim3A_289 : vector<16xi32>
          scf.yield %add3A_435 : vector<16xi32>
        }
        %scan3A_314 = arith.constant 16 : i32
        %scan3A_315 = arith.constant 0 : i32
        %scan3A_316 = arith.constant 0 : i32
        %scan3A_317 = arith.constant 4 : i32
        %scan3A_318 = arith.addi %scan3A_316, %scan3A_317 : i32
        %scan3A_319 = arith.constant 1 : i32
        %scan3A_320 = scf.for %scan3A_323 = %scan3A_316 to %scan3A_318 step %scan3A_319 iter_args(%scan3A_324 = %scan3A_315) -> (i32)  : i32 {
          %mul3A_325 = arith.constant 4 : i32
          %mul3A_326 = arith.muli %scan3A_298, %mul3A_325 : i32
          %add3A_327 = arith.addi %mul3A_326, %scan3A_323 : i32
          %jit3A_328 = arith.constant 4 : i32
          %div3A_329 = arith.divsi %add3A_188, %jit3A_328 : i32
          %sign3A_330 = arith.constant 0 : i32
          %sign3A_331 = arith.cmpi sgt, %add3A_188, %sign3A_330 : i32
          %sign3A_332 = arith.extui %sign3A_331 : i1 to i32
          %sign3A_333 = arith.constant 0 : i32
          %sign3A_334 = arith.cmpi slt, %add3A_188, %sign3A_333 : i32
          %sign3A_335 = arith.extui %sign3A_334 : i1 to i32
          %sign3A_336 = arith.subi %sign3A_332, %sign3A_335 : i32
          %sign3A_337 = arith.constant 0 : i32
          %sign3A_338 = arith.cmpi sgt, %jit3A_328, %sign3A_337 : i32
          %sign3A_339 = arith.extui %sign3A_338 : i1 to i32
          %sign3A_340 = arith.constant 0 : i32
          %sign3A_341 = arith.cmpi slt, %jit3A_328, %sign3A_340 : i32
          %sign3A_342 = arith.extui %sign3A_341 : i1 to i32
          %sign3A_343 = arith.subi %sign3A_339, %sign3A_342 : i32
          %ne3A_344 = arith.cmpi ne, %sign3A_336, %sign3A_343 : i32
          %rem3A_345 = arith.remsi %add3A_188, %jit3A_328 : i32
          %ne3A_346 = arith.constant 0 : i32
          %ne3A_347 = arith.cmpi ne, %rem3A_345, %ne3A_346 : i32
          %and3A_348 = arith.andi %ne3A_344, %ne3A_347 : i1
          %sub3A_349 = arith.constant 1 : i32
          %sub3A_350 = arith.subi %div3A_329, %sub3A_349 : i32
          %select_n3A_351 = arith.select %and3A_348, %sub3A_350, %div3A_329 : i32
          %mul3A_352 = arith.constant 4 : i32
          %mul3A_353 = arith.muli %add3A, %mul3A_352 : i32
          %jit3A_354 = arith.constant 4 : i32
          %eq3A_355 = arith.constant 0 : i32
          %eq3A_356 = arith.cmpi eq, %jit3A_354, %eq3A_355 : i32
          %jit3A_357 = arith.constant 1 : i32
          %select_n3A_358 = arith.select %eq3A_356, %jit3A_357, %jit3A_354 : i32
          %rem3A_359 = arith.remsi %add3A_188, %select_n3A_358 : i32
          %ne3A_360 = arith.constant 0 : i32
          %ne3A_361 = arith.cmpi ne, %rem3A_359, %ne3A_360 : i32
          %lt3A_362 = arith.constant 0 : i32
          %lt3A_363 = arith.cmpi slt, %rem3A_359, %lt3A_362 : i32
          %lt3A_364 = arith.constant 0 : i32
          %lt3A_365 = arith.cmpi slt, %select_n3A_358, %lt3A_364 : i32
          %ne3A_366 = arith.xori %lt3A_363, %lt3A_365 : i1
          %and3A_367 = arith.andi %ne3A_366, %ne3A_361 : i1
          %add3A_368 = arith.addi %rem3A_359, %select_n3A_358 : i32
          %select_n3A_369 = arith.select %and3A_367, %add3A_368, %rem3A_359 : i32
          %add3A_370 = arith.addi %mul3A_353, %select_n3A_369 : i32
          %jit3A_371 = arith.constant 4 : i32
          %div3A_372 = arith.divsi %add3A_327, %jit3A_371 : i32
          %sign3A_373 = arith.constant 0 : i32
          %sign3A_374 = arith.cmpi sgt, %add3A_327, %sign3A_373 : i32
          %sign3A_375 = arith.extui %sign3A_374 : i1 to i32
          %sign3A_376 = arith.constant 0 : i32
          %sign3A_377 = arith.cmpi slt, %add3A_327, %sign3A_376 : i32
          %sign3A_378 = arith.extui %sign3A_377 : i1 to i32
          %sign3A_379 = arith.subi %sign3A_375, %sign3A_378 : i32
          %sign3A_380 = arith.constant 0 : i32
          %sign3A_381 = arith.cmpi sgt, %jit3A_371, %sign3A_380 : i32
          %sign3A_382 = arith.extui %sign3A_381 : i1 to i32
          %sign3A_383 = arith.constant 0 : i32
          %sign3A_384 = arith.cmpi slt, %jit3A_371, %sign3A_383 : i32
          %sign3A_385 = arith.extui %sign3A_384 : i1 to i32
          %sign3A_386 = arith.subi %sign3A_382, %sign3A_385 : i32
          %ne3A_387 = arith.cmpi ne, %sign3A_379, %sign3A_386 : i32
          %rem3A_388 = arith.remsi %add3A_327, %jit3A_371 : i32
          %ne3A_389 = arith.constant 0 : i32
          %ne3A_390 = arith.cmpi ne, %rem3A_388, %ne3A_389 : i32
          %and3A_391 = arith.andi %ne3A_387, %ne3A_390 : i1
          %sub3A_392 = arith.constant 1 : i32
          %sub3A_393 = arith.subi %div3A_372, %sub3A_392 : i32
          %select_n3A_394 = arith.select %and3A_391, %sub3A_393, %div3A_372 : i32
          %jit3A_395 = arith.constant 4 : i32
          %eq3A_396 = arith.constant 0 : i32
          %eq3A_397 = arith.cmpi eq, %jit3A_395, %eq3A_396 : i32
          %jit3A_398 = arith.constant 1 : i32
          %select_n3A_399 = arith.select %eq3A_397, %jit3A_398, %jit3A_395 : i32
          %rem3A_400 = arith.remsi %add3A_327, %select_n3A_399 : i32
          %ne3A_401 = arith.constant 0 : i32
          %ne3A_402 = arith.cmpi ne, %rem3A_400, %ne3A_401 : i32
          %lt3A_403 = arith.constant 0 : i32
          %lt3A_404 = arith.cmpi slt, %rem3A_400, %lt3A_403 : i32
          %lt3A_405 = arith.constant 0 : i32
          %lt3A_406 = arith.cmpi slt, %select_n3A_399, %lt3A_405 : i32
          %ne3A_407 = arith.xori %lt3A_404, %lt3A_406 : i1
          %and3A_408 = arith.andi %ne3A_407, %ne3A_402 : i1
          %add3A_409 = arith.addi %rem3A_400, %select_n3A_399 : i32
          %select_n3A_410 = arith.select %and3A_408, %add3A_409, %rem3A_400 : i32
          %mul3A_411 = arith.constant 8 : i32
          %mul3A_412 = arith.muli %add3A_327, %mul3A_411 : i32
          %mul3A_413 = arith.constant 8 : i32
          %mul3A_414 = arith.muli %select_n3A_351, %mul3A_413 : i32
          %add3A_415 = arith.addi %mul3A_414, %select_n3A_394 : i32
          %dma_start3A_416 = arith.constant 0 : i32
          %dma_start3A_417 = tpu.memref_slice %arg12[%mul3A_412, %dma_start3A_416] : memref<256x129xf32, #tpu.memory_space<vmem>> -> memref<8x128xf32, #tpu.memory_space<vmem>>
          %dma_start3A_418 = arith.constant 0 : i32
          %dma_start3A_419 = arith.constant 0 : i32
          %dma_start3A_420 = tpu.memref_slice %arg4[%add3A_415, %select_n3A_410, %add3A_370, %dma_start3A_418, %dma_start3A_419] : memref<200x4x128x8x128xf32, #tpu.memory_space<hbm>> -> memref<1x1x1x8x128xf32, #tpu.memory_space<hbm>>
          %dma_start3A_421 = tpu.memref_squeeze %dma_start3A_420 : memref<1x1x1x8x128xf32, #tpu.memory_space<hbm>> -> memref<8x128xf32, #tpu.memory_space<hbm>>
          %dma_start3A_422 = arith.constant 0 : i32
          %dma_start3A_423 = arith.constant 0 : i32
          %dma_start3A_424 = tpu.memref_slice %arg4[%add3A_415, %select_n3A_410, %add3A_370, %dma_start3A_422, %dma_start3A_423] : memref<200x4x128x8x128xf32, #tpu.memory_space<hbm>> -> memref<1x1x1x8x128xf32, #tpu.memory_space<hbm>>
          %dma_start3A_425 = tpu.memref_squeeze %dma_start3A_424 : memref<1x1x1x8x128xf32, #tpu.memory_space<hbm>> -> memref<8x128xf32, #tpu.memory_space<hbm>>
          %dma_start3A_426 = arith.constant 0 : i32
          %dma_start3A_427 = tpu.memref_slice %arg12[%mul3A_412, %dma_start3A_426] : memref<256x129xf32, #tpu.memory_space<vmem>> -> memref<8x128xf32, #tpu.memory_space<vmem>>
          tpu.enqueue_dma source(%dma_start3A_427 : memref<8x128xf32, #tpu.memory_space<vmem>>) target(%dma_start3A_425 : memref<8x128xf32, #tpu.memory_space<hbm>>) target_semaphore(%arg17 : memref<!tpu.dma_semaphore, #tpu.memory_space<semaphore_mem>>)
          %scan3A_428 = arith.constant 0 : i32
          scf.yield %scan3A_428 : i32
        }
        %scan3A_321 = arith.constant 4 : i32
        %scan3A_322 = arith.constant 0 : i32
        scf.yield %scan3A_322 : i32
      }
      %scan3A_296 = arith.constant 8 : i32
      %scan3A_297 = arith.constant 0 : i32
      scf.yield %scan3A_297 : i32
    }
    %scan3A_70 = arith.constant 50 : i32
    %scan3A_71 = arith.constant 0 : i32
    %scan3A_72 = arith.constant 0 : i32
    %scan3A_73 = arith.constant 32 : i32
    %scan3A_74 = arith.addi %scan3A_72, %scan3A_73 : i32
    %scan3A_75 = arith.constant 1 : i32
    %scan3A_76 = scf.for %scan3A_78 = %scan3A_72 to %scan3A_74 step %scan3A_75 iter_args(%scan3A_79 = %scan3A_71) -> (i32)  : i32 {
      %mul3A_80 = arith.constant 4 : i32
      %mul3A_81 = arith.muli %add3A, %mul3A_80 : i32
      %add3A_82 = arith.constant 3 : i32
      %add3A_83 = arith.addi %mul3A_81, %add3A_82 : i32
      %jit3A_84 = arith.constant 4 : i32
      %div3A = arith.divsi %scan3A_78, %jit3A_84 : i32
      %sign3A = arith.constant 0 : i32
      %sign3A_85 = arith.cmpi sgt, %scan3A_78, %sign3A : i32
      %sign3A_86 = arith.extui %sign3A_85 : i1 to i32
      %sign3A_87 = arith.constant 0 : i32
      %sign3A_88 = arith.cmpi slt, %scan3A_78, %sign3A_87 : i32
      %sign3A_89 = arith.extui %sign3A_88 : i1 to i32
      %sign3A_90 = arith.subi %sign3A_86, %sign3A_89 : i32
      %sign3A_91 = arith.constant 0 : i32
      %sign3A_92 = arith.cmpi sgt, %jit3A_84, %sign3A_91 : i32
      %sign3A_93 = arith.extui %sign3A_92 : i1 to i32
      %sign3A_94 = arith.constant 0 : i32
      %sign3A_95 = arith.cmpi slt, %jit3A_84, %sign3A_94 : i32
      %sign3A_96 = arith.extui %sign3A_95 : i1 to i32
      %sign3A_97 = arith.subi %sign3A_93, %sign3A_96 : i32
      %ne3A_98 = arith.cmpi ne, %sign3A_90, %sign3A_97 : i32
      %rem3A_99 = arith.remsi %scan3A_78, %jit3A_84 : i32
      %ne3A_100 = arith.constant 0 : i32
      %ne3A_101 = arith.cmpi ne, %rem3A_99, %ne3A_100 : i32
      %and3A_102 = arith.andi %ne3A_98, %ne3A_101 : i1
      %sub3A = arith.constant 1 : i32
      %sub3A_103 = arith.subi %div3A, %sub3A : i32
      %select_n3A_104 = arith.select %and3A_102, %sub3A_103, %div3A : i32
      %jit3A_105 = arith.constant 4 : i32
      %eq3A_106 = arith.constant 0 : i32
      %eq3A_107 = arith.cmpi eq, %jit3A_105, %eq3A_106 : i32
      %jit3A_108 = arith.constant 1 : i32
      %select_n3A_109 = arith.select %eq3A_107, %jit3A_108, %jit3A_105 : i32
      %rem3A_110 = arith.remsi %scan3A_78, %select_n3A_109 : i32
      %ne3A_111 = arith.constant 0 : i32
      %ne3A_112 = arith.cmpi ne, %rem3A_110, %ne3A_111 : i32
      %lt3A_113 = arith.constant 0 : i32
      %lt3A_114 = arith.cmpi slt, %rem3A_110, %lt3A_113 : i32
      %lt3A_115 = arith.constant 0 : i32
      %lt3A_116 = arith.cmpi slt, %select_n3A_109, %lt3A_115 : i32
      %ne3A_117 = arith.xori %lt3A_114, %lt3A_116 : i1
      %and3A_118 = arith.andi %ne3A_117, %ne3A_112 : i1
      %add3A_119 = arith.addi %rem3A_110, %select_n3A_109 : i32
      %select_n3A_120 = arith.select %and3A_118, %add3A_119, %rem3A_110 : i32
      %mul3A_121 = arith.constant 8 : i32
      %mul3A_122 = arith.muli %scan3A_78, %mul3A_121 : i32
      %add3A_123 = arith.constant 192 : i32
      %add3A_124 = arith.addi %add3A_123, %select_n3A_104 : i32
      %dma_wait3A_125 = arith.constant 0 : i32
      %dma_wait3A_126 = tpu.memref_slice %arg12[%mul3A_122, %dma_wait3A_125] : memref<256x129xf32, #tpu.memory_space<vmem>> -> memref<8x128xf32, #tpu.memory_space<vmem>>
      %dma_wait3A_127 = arith.constant 0 : i32
      %dma_wait3A_128 = arith.constant 0 : i32
      %dma_wait3A_129 = tpu.memref_slice %arg4[%add3A_124, %select_n3A_120, %add3A_83, %dma_wait3A_127, %dma_wait3A_128] : memref<200x4x128x8x128xf32, #tpu.memory_space<hbm>> -> memref<1x1x1x8x128xf32, #tpu.memory_space<hbm>>
      %dma_wait3A_130 = tpu.memref_squeeze %dma_wait3A_129 : memref<1x1x1x8x128xf32, #tpu.memory_space<hbm>> -> memref<8x128xf32, #tpu.memory_space<hbm>>
      %dma_wait3A_131 = arith.constant 0 : i32
      %dma_wait3A_132 = arith.constant 0 : i32
      %dma_wait3A_133 = tpu.memref_slice %arg4[%add3A_124, %select_n3A_120, %add3A_83, %dma_wait3A_131, %dma_wait3A_132] : memref<200x4x128x8x128xf32, #tpu.memory_space<hbm>> -> memref<1x1x1x8x128xf32, #tpu.memory_space<hbm>>
      %dma_wait3A_134 = tpu.memref_squeeze %dma_wait3A_133 : memref<1x1x1x8x128xf32, #tpu.memory_space<hbm>> -> memref<8x128xf32, #tpu.memory_space<hbm>>
      %dma_wait3A_135 = arith.constant 0 : i32
      %dma_wait3A_136 = tpu.memref_slice %arg12[%mul3A_122, %dma_wait3A_135] : memref<256x129xf32, #tpu.memory_space<vmem>> -> memref<8x128xf32, #tpu.memory_space<vmem>>
      tpu.wait_dma2 semaphore(%arg17 : memref<!tpu.dma_semaphore, #tpu.memory_space<semaphore_mem>>) src(%dma_wait3A_136 : memref<8x128xf32, #tpu.memory_space<vmem>>) dst(%dma_wait3A_134 : memref<8x128xf32, #tpu.memory_space<hbm>>)
      %scan3A_137 = arith.constant 0 : i32
      scf.yield %scan3A_137 : i32
    }
    %scan3A_77 = arith.constant 32 : i32
    return
  }
}

</mosaic_0001>

<sc_bundles>
// kernel: kernel.3.cloned.1.call-start
scs
__scs_entry_jumppad:
0x0: {  	(pc) =	sbr.rel $0x88, $3  }
0x1: {  	(tag) =	ssettag $0x0;
	lr =	simm.s32 $0x1  }
0x2: {  	[smem:$0x3F9F] =	sst lr;
	_ =	strace $0xD0000000  }
0x3: {  	_ = 	snop  }
0x4: {  	_ = 	snop  }
0x5: {  	_ = 	snop  }
0x6: {  	_ = 	snop  }
0x7: {  	_ = 	snop  }
__scs_overlays_trampoline_lowered:
0x8: {  	[smem:$0x3FAE] =	sst s0  }
0x9: {  	[smem:$0x3FAF] =	sst s1  }
0xa: {  	[smem:$0x3FB0] =	sst s2  }
0xb: {  	[smem:$0x3FB1] =	sst s3  }
0xc: {  	[smem:$0x3FB2] =	sst s4  }
0xd: {  	[smem:$0x3FB3] =	sst s5  }
0xe: {  	[smem:$0x3FB4] =	sst s6  }
0xf: {  	[smem:$0x3FB5] =	sst s7  }
0x10: {  	[smem:$0x3FB6] =	sst s8  }
0x11: {  	[smem:$0x3FB7] =	sst s9;
	s0 =	simm.s32 @!p0 $0x0  }
0x12: {  	s1 =	sld [smem:$0x3F9D];
	s0 =	simm.s32 @p0 $0x1  }
0x13: {  	[smem:$0x3FB8] =	sst s0;
	s0 =	simm.s32 @!p1 $0x0  }
0x14: {  	s2 =	sld [smem:$0x3F9C];
	s0 =	simm.s32 @p1 $0x1  }
0x15: {  	[smem:$0x3FB9] =	sst s0;
	s0 =	simm.s32 @!p2 $0x0  }
0x16: {  	s3 =	sld [smem:$0x3FDB];
	s0 =	simm.s32 @p2 $0x1  }
0x17: {  	s4 =	simm.s32 $0x1BF5;
	[smem:$0x3FBB] =	sst s0  }
0x18: {  	s0 =	sld [smem:$0x3F9E];
	_ =	swait.ge [sflag:s4], $0x0  }
0x19: {  	s7 =	sld [smem:$0x3F9F]  }
0x1a: {  	s8 =	sadd.s32 $0xFFFFE003, lr  }
0x1b: {  	s9 =	sadd.s32 $0xFFFFFEF7, lr;
	s5 =	simm.s32 $0xFFFFFFFF;
	p2 =	slt.u32 s8, $0xFFFFF086  }
0x1c: {  	p1 =	slt.u32 s9, $0xF7A;
	s5 =	simm.s32 @!p2 $0x0  }
0x1d: {  	s5 =	simm.s32 @p1 $0x1;
	p0 =	seq.s32 s7, s2  }
0x1e: {  	s7 =	smul.u32 @!p0 $0xF7A, s2;
	p2 =	seq.s32 @!p0 s5, $0x0  }
0x1f: {  	s9 =	smul.u32 $0xF7A, s1;
	s8 =	simm.s32 @!p0 $0x1BF5;
	p2 =	por !p2, p0  }
0x20: {  	[sflag:s8] =	ssyncset.s32 @!p0 $0xFFFFF086;
	s6 =	sadd.s32 @!p0 s3, s7;
	s7 =	simm.s32 @!p0 $0x108  }
0x21: {  	s3 =	sadd.s32 s3, s9;
	s6 =	sadd.s32 @!p0 $0x88, s6;
	s7 =	simm.s32 @p2 $0x1082  }
0x22: {  	[simem:s7], [sflag:s8] =	dma.local @!p0 [hbm:s6], $0xF7A  }
0x23: {  	s9 =	sor.u32 $0xD0000000, s2;
	s6 =	simm.s32 $0x108;
	_ =	swait.ge @!p0 [sflag:s8], $0x0  }
0x24: {  	s3 =	sadd.s32 $0x88, s3;
	s6 =	simm.s32 @!p1 $0x1082;
	[sflag:s4] =	ssyncset.s32 $0xFFFFF086  }
0x25: {  	[simem:s6], [sflag:s4] =	dma.local [hbm:s3], $0xF7A  }
0x26: {  	[smem:$0x3F9F] =	sst s1;
	(tag) =	ssettag s2;
	_ =	strace s9  }
0x27: {  	s1 =	sld [smem:$0x3FAF]  }
0x28: {  	s2 =	sld [smem:$0x3FB0]  }
0x29: {  	s4 =	sld [smem:$0x3FB2]  }
0x2a: {  	p0 =	seq.s32 s5, $0x0;
	s5 =	sld [smem:$0x3FB3]  }
0x2b: {  	s6 =	sld [smem:$0x3FB4]  }
0x2c: {  	s7 =	sld [smem:$0x3FB5]  }
0x2d: {  	s3 =	simm.s32 $0x108;
	s8 =	sld [smem:$0x3FB6]  }
0x2e: {  	s3 =	simm.s32 @!p0 $0x1082;
	s9 =	sld [smem:$0x3FB7]  }
0x2f: {  	lr =	sadd.s32 s0, s3;
	s0 =	sld [smem:$0x3FAE]  }
0x30: {  	s3 =	sld [smem:$0x3FB1]  }
0x31: {  	[smem:$0x3FBA] =	sst s10  }
0x32: {  	s10 =	sld [smem:$0x3FB8];
	_ =	sdelay $0x3  }
0x33: {  	p0 =	seq.s32 s10, $0x1;
	s10 =	sld [smem:$0x3FBA];
	_ =	sdelay $0x3  }
0x34: {  	[smem:$0x3FBA] =	sst s10  }
0x35: {  	s10 =	sld [smem:$0x3FB9];
	_ =	sdelay $0x3  }
0x36: {  	p1 =	seq.s32 s10, $0x1;
	s10 =	sld [smem:$0x3FBA];
	_ =	sdelay $0x3  }
0x37: {  	[smem:$0x3FBA] =	sst s10  }
0x38: {  	s10 =	sld [smem:$0x3FBB]  }
0x39: {  	_ = 	snop;
	(pc) =	sbr.ind lr, $3  }
0x3a: {  	_ = 	snop  }
0x3b: {  	_ = 	snop  }
0x3c: {  	p2 =	seq.s32 s10, $0x1;
	s10 =	sld [smem:$0x3FBA]  }
0x3d: {  	_ =	shalt  }
0x3e: {  	_ =	shalt  }
0x3f: {  	_ =	shalt  }
0x40: {  	_ =	shalt  }
0x41: {  	_ =	shalt  }
0x42: {  	_ =	shalt  }
0x43: {  	_ =	shalt  }
0x44: {  	_ =	shalt  }
0x45: {  	_ =	shalt  }
0x46: {  	_ =	shalt  }
0x47: {  	_ =	shalt  }
0x48: {  	_ =	shalt  }
0x49: {  	_ =	shalt  }
0x4a: {  	_ =	shalt  }
0x4b: {  	_ =	shalt  }
0x4c: {  	_ =	shalt  }
0x4d: {  	_ =	shalt  }
0x4e: {  	_ =	shalt  }
0x4f: {  	_ =	shalt  }
0x50: {  	_ =	shalt  }
0x51: {  	_ =	shalt  }
0x52: {  	_ =	shalt  }
0x53: {  	_ =	shalt  }
0x54: {  	_ =	shalt  }
0x55: {  	_ =	shalt  }
0x56: {  	_ =	shalt  }
0x57: {  	_ =	shalt  }
0x58: {  	_ =	shalt  }
0x59: {  	_ =	shalt  }
0x5a: {  	_ =	shalt  }
0x5b: {  	_ =	shalt  }
0x5c: {  	_ =	shalt  }
0x5d: {  	_ =	shalt  }
0x5e: {  	_ =	shalt  }
0x5f: {  	_ =	shalt  }
0x60: {  	_ =	shalt  }
0x61: {  	_ =	shalt  }
0x62: {  	_ =	shalt  }
0x63: {  	_ =	shalt  }
0x64: {  	_ =	shalt  }
0x65: {  	_ =	shalt  }
0x66: {  	_ =	shalt  }
0x67: {  	_ =	shalt  }
0x68: {  	_ =	shalt  }
0x69: {  	_ =	shalt  }
0x6a: {  	_ =	shalt  }
0x6b: {  	_ =	shalt  }
0x6c: {  	_ =	shalt  }
0x6d: {  	_ =	shalt  }
0x6e: {  	_ =	shalt  }
0x6f: {  	_ =	shalt  }
0x70: {  	_ =	shalt  }
0x71: {  	_ =	shalt  }
0x72: {  	_ =	shalt  }
0x73: {  	_ =	shalt  }
0x74: {  	_ =	shalt  }
0x75: {  	_ =	shalt  }
0x76: {  	_ =	shalt  }
0x77: {  	_ =	shalt  }
0x78: {  	_ =	shalt  }
0x79: {  	_ =	shalt  }
0x7a: {  	_ =	shalt  }
0x7b: {  	_ =	shalt  }
0x7c: {  	_ =	shalt  }
0x7d: {  	_ =	shalt  }
0x7e: {  	_ =	shalt  }
0x7f: {  	_ =	shalt  }
0x80: {  	_ =	shalt  }
0x81: {  	_ =	shalt  }
0x82: {  	_ =	shalt  }
0x83: {  	_ =	shalt  }
0x84: {  	_ =	shalt  }
0x85: {  	_ =	shalt  }
0x86: {  	_ =	shalt  }
0x87: {  	_ =	shalt  }
.Lfunc_end0:
.L_simem_size_0:
called_computation_lowered:
.L_overlay_start_0:
0x88: {  	s2 =	sld [smem:$0x3FD9]  }
0x89: {  	s3 =	sld [smem:$0x3FFE];
	_ =	sdelay $0x1  }
0x8a: {  	s1 =	srdreg.scid  }
0x8b: {  	s0 =	sand.u32 $0x1, s1  }
0x8c: {  	s17 =	sshll.u32 s0, $0xA;
	s2 =	sadd.s32 s3, s2  }
0x8d: {  	s2 =	sadd.s32 s2, s17  }
0x8e: {  	[smem:$0x3FC6] =	sst s2  }
0x8f: {  	_ = 	snop  }
0x90: {  	s2 =	sld [smem:$0x3FC9]  }
0x91: {  	s18 =	sld [smem:$0x3FD0];
	(tm) =	ssettm $0x1  }
0x92: {  	s4 =	sld [smem:$0x3FFB];
	_ =	sdelay $0x3  }
0x93: {  	_ =	strace s4  }
0x94: {  	s4 =	sld [smem:$0x3FFC];
	_ =	sdelay $0x3  }
0x95: {  	_ =	strace s4  }
0x96: {  	s4 =	sld [smem:$0x3FFD];
	_ =	sdelay $0x3  }
0x97: {  	_ =	strace s4  }
0x98: {  	_ =	strace $0x8FFFFFFF  }
0x99: {  	s19 =	sld [smem:$0x3FDB];
	_ =	sdelay $0x1  }
0x9a: {  	s5 =	simm.s32 $_scs_section_size  }
0x9b: {  	s6 =	simm.s32 $_size__tile_overlayer_lowered;
	s7 =	simm.s32 $_tile_overlayer_lowered  }
0x9c: {  	s22 =	simm.s32 $0x1BFF;
	s21 =	sshll.u32 s7, $0x1;
	s4 =	sadd.s32 s5, s19  }
0x9d: {  	s8 =	simm.s32 $0x0;
	s20 =	sshll.u32 s6, $0x1;
	s6 =	sadd.s32 s21, s4  }
0x9e: {  	[timem:s8], [sflag:s22] =	dma.local [hbm:s6], s20  }
0x9f: {  	_ =	swait.ge [sflag:s22], s20  }
0xa0: {  	s5 =	ssub.s32 $0x0, s20;
	[sflag:s22] =	ssyncset.done $0x0  }
0xa1: {  	[sflag:s22] =	ssyncadd.s32 s5;
	_ =	sdelay $0x1  }
0xa2: {  	s23 =	simm.s32 $0x1B8B  }
0xa3: {  	_ =	swait.ge [sflag:s23], $0x1  }
0xa4: {  	[sflag:s23] =	ssyncset.done $0x0  }
0xa5: {  	s25 =	simm.s32 $0x1B8E;
	s24 =	sld [smem:$0x3FFE];
	[sflag:s23] =	ssyncadd.s32 $0xFFFFFFFF  }
0xa6: {  	s26 =	simm.s32 $execute0_lowered;
	[smem:$0x3FD2] =	sst s25  }
0xa7: {  	s6 =	sshll.u32 s26, $0x1;
	_ =	strace $0x80000046;
	[dreg:$0x1] =	wrdreg $0xFFFFFFFF  }
0xa8: {  	s28 =	simm.s32 $_size_execute0_lowered;
	s4 =	sadd.s32 s4, s6;
	[dreg:$0x0] =	wrdreg $0x0  }
0xa9: {  	s6 =	sshll.u32 s28, $0x1;
	[dreg:$0x2] =	wrdreg s4  }
0xaa: {  	[dreg:$0x3] =	wrdreg s6  }
0xab: {  	[dreg:$0x4] =	wrdreg $0xC0  }
0xac: {  	_ =	task [dreg:s8], $0x5FFFF  }
0xad: {  	[dreg:$0x1] =	wrdreg $0xFFFFFFFF  }
0xae: {  	[dreg:$0x0] =	wrdreg $0x60  }
0xaf: {  	[dreg:$0x2] =	wrdreg s2  }
0xb0: {  	[dreg:$0x3] =	wrdreg s24  }
0xb1: {  	[dreg:$0x4] =	wrdreg s18  }
0xb2: {  	[dreg:$0x5] =	wrdreg $0x9  }
0xb3: {  	_ =	task.clear_ibuf [dreg:s8], $0x6FFFF;
	_ =	strace $0x90000046  }
0xb4: {  	s29 =	simm.s32 $0x9;
	_ =	strace $0x80000048  }
0xb5: {  	_ =	swait.ge [sflag:s29], $0x1  }
0xb6: {  	[sflag:s29] =	ssyncadd.s32 $0xFFFFFFFF  }
0xb7: {  	_ =	strace $0x90000048  }
0xb8: {  	_ =	sfence  }
0xb9: {  	s30 =	sld [smem:$0x0];
	_ =	sdelay $0x2  }
0xba: {  	s31 =	sshll.u32 s1, $0xD;
	s1 =	sshrl.u32 s1, $0x2  }
0xbb: {  	s3 =	sand.u32 $0x4000, s31;
	s1 =	sadd.s32 s1, s30  }
0xbc: {  	s0 =	sor.u32 s3, s0;
	s1 =	sshll.u32 s1, $0x11  }
0xbd: {  	s0 =	sor.u32 s1, s0  }
0xbe: {  	s0 =	sadd.s32 $0x8F2B, s0  }
0xbf: {  	[sflag:s0] =	ssyncadd.remote.s32 $0x1  }
0xc0: {  	_ =	sfence.sel $0xFFFF  }
0xc1: {  	[dreg:$0x0] =	wrdreg $0xFFFFFFFF;
	(pc) =	sbr.abs _section_cstart, $3  }
0xc2: {  	[dreg:$0x1] =	wrdreg $0xFFFFFFFF  }
0xc3: {  	_ =	task.clear_ibuf [dreg:s8], $0x2FFFF;
	_ =	strace $0x9FFFFFFF  }
0xc4: {  	(tm) =	ssettm $0x7FFFFFFF  }
0xc5: {  	_ =	shalt  }
tec
execute0_lowered:
.L_overlay_start_1:
0x0: {  	(tag) =	ssettag $0x1  }
0x1: {  	s1 =	rddreg [dreg:$0x0]  }
0x2: {  	s0 =	rddreg [dreg:$0x1]  }
0x3: {  	s2 =	rddreg [dreg:$0x2];
	s3 =	simm.s32 $0x0;
	s4 =	srdreg.scid  }
0x4: {  	s7 =	stileid.u32;
	s13 =	simm.s32 $0x400;
	s14 =	simm.s32 $0x1000  }
0x5: {  	s16 =	simm.s32 $0x2;
	s17 =	simm.s32 $0x9000;
	s19 =	simm.s32 $0x3  }
0x6: {  	s20 =	simm.s32 $0x11000;
	s21 =	simm.s32 $0x4;
	s22 =	simm.s32 $0x5  }
0x7: {  	[smem:$0x7FF] =	sst s3;
	s8 =	sand.u32 $0x1, s4;
	s5 =	sshll.u32 s7, $0x3  }
0x8: {  	s4 =	sadd.s32 $0xF42C00, s0;
	s6 =	sadd.s32 $0x800, s0;
	s29 =	sshll.u32 s7, $0xD  }
0x9: {  	p0 =	sne.s32 s7, $0x0;
	s7 =	simm.s32 $0x0;
	s10 =	sshll.u32 s8, $0x2  }
0xa: {  	_ =	strace $0x80000047;
	s9 =	ssub.s32 $0x2, s8;
	s5 =	sor.u32 s10, s5  }
0xb: {  	s11 =	sshrl.u32 s9, $0x1;
	s10 =	sadd.s32 s6, s10;
	s28 =	sshll.u32 s5, $0x7  }
0xc: {  	v0 =	vlaneseq.u32;
	s26 =	ssub.s32 s9, s11;
	[dreg:$0x5] =	wrdreg s10;
	s12 =	sadd.s32 s1, s28  }
0xd: {  	v0 =	vmul.u32 $0x88, v0;
	s30 =	sshll.u32 s8, $0xC;
	s0 =	smax.u32 s26, $0x1;
	[dreg:$0x4] =	wrdreg s12  }
0xe: {  	s9 =	sor.u32 s30, s29;
	s31 =	sadd.s32 $0x80, s12;
	[dreg:$0x7] =	wrdreg s0  }
0xf: {  	v1 =	vmov s8;
	v2 =	vadd.s32 $0x880, v0;
	s11 =	sor.u32 $0x400, s9;
	s12 =	simm.s32 $0x1;
	[dreg:$0x6] =	wrdreg s31  }
.LBB2_1:
0x10: {  	s0 =	rddreg [dreg:$0x4]  }
0x11: {  	v3 =	vimm.f32 @!p0 $0.0e+00;
	[tilespmem:s3], [sflag:$0x1] =	stream.linear.gather [hbm4b:s0+s3], $0x400, $0x38;
	[tilespmem:$0x19800] =	vst v63  }
0x12: {  	[dreg:$0x8] =	wrdreg s7;
	[tilespmem:$0x1000] =	vst @!p0 v3  }
0x13: {  	s7 =	simm.s32 @!p0 $0x1000;
	s8 =	rddreg [dreg:$0x5];
	s0 =	simm.s32 @!p0 $0x0;
	[tilespmem:$0x1010] =	vst @!p0 v3  }
0x14: {  	[hbm4b:s8+s0] =	stream.linear.scatter @!p0 [tilespmem:s7], [sflag:$0x6], $0x20, $0x38;
	[tilespmem:$0x19800] =	vst v63  }
0x15: {  	s0 =	simm.s32 @!p0 $0x6  }
0x16: {  	_ =	swait.ge @!p0 [sflag:s0], $0x20  }
0x17: {  	[sflag:s0] =	ssyncset.done @!p0 $0x0  }
0x18: {  	[sflag:s0] =	ssyncadd.s32 @!p0 $0xFFFFFFE0  }
0x19: {  	[bflag:$0x0] =	sbarrier.arrive $0xFFFF  }
0x1a: {  	_ =	swait.ge [sflag:s12], $0x400  }
0x1b: {  	[sflag:s12] =	ssyncset.done $0x0  }
0x1c: {  	s0 =	simm.s32 $0x0;
	[sflag:s12] =	ssyncadd.s32 $0xFFFFFC00  }
0x1d: {  	v5 =	vld [tilespmem:s0+$0x30]  }
0x1e: {  	v6 =	vld [tilespmem:s0+$0x0]  }
0x1f: {  	v4 =	vld [tilespmem:s0+$0x10]  }
0x20: {  	v3 =	vld [tilespmem:s0+$0x20]  }
0x21: {  	s8 =	simm.s32 $0x100  }
.LBB2_2:
0x22: {  	s7 =	sshra.s32 s8, $0x2;
	p1 =	sne.s32 s8, $0xF00;
	s8 =	sadd.s32 $0x100, s8;
	vm0 =	veq.s32 v5, $0x0  }
.Ltmp0:
0x23: {  	v5 =	vld [tilespmem:s7+$0x30];
	vm1 =	veq.s32 v6, $0x0;
	v7 =	vnsel vm0, $0x7, v1;
	(pc) =	sbr.rel @p1 .LBB2_2-.Ltmp0, $4  }
0x24: {  	v6 =	vld [tilespmem:s7+$0x0];
	v8 =	vnsel vm1, $0x7, v1;
	vm0 =	veq.s32 v4, $0x0;
	[tilespmem:s0+$0x830] =	vst v7  }
0x25: {  	v4 =	vld [tilespmem:s7+$0x10];
	[tilespmem:s0+$0x800] =	vst v8;
	v7 =	vnsel vm0, $0x7, v1;
	vm0 =	veq.s32 v3, $0x0  }
0x26: {  	v3 =	vld [tilespmem:s7+$0x20];
	[tilespmem:s0+$0x810] =	vst v7;
	v7 =	vnsel vm0, $0x7, v1  }
0x27: {  	[tilespmem:s0+$0x820] =	vst v7;
	s0 =	smov.u32 s7  }
0x28: {  	vm0 =	veq.s32 v5, $0x0  }
0x29: {  	vm1 =	veq.s32 v6, $0x0;
	v5 =	vnsel vm0, $0x7, v1  }
0x2a: {  	v6 =	vnsel vm1, $0x7, v1;
	vm14 =	veq.s32 v4, $0x0;
	[tilespmem:s0+$0x830] =	vst v5  }
0x2b: {  	[tilespmem:s0+$0x800] =	vst v6;
	v4 =	vnsel vm14, $0x7, v1;
	vm15 =	veq.s32 v3, $0x0  }
0x2c: {  	[tilespmem:s0+$0x810] =	vst v4;
	v3 =	vnsel vm15, $0x7, v1  }
0x2d: {  	[tilespmem:s0+$0x820] =	vst v3;
	(ifvalue) =	ssetifvalue $0x0  }
0x2e: {  	s24 =	simm.s32 $0x0;
	(ifvalue) =	ssetifvalue $0x0  }
0x2f: {  	[tilespmem:s14], [sflag:$0x3] =	stream.indirect.gather [hbm4b:s4+s13], $0x20, s24, s13, $0x40b8;
	[tilespmem:$0x19800] =	vst v63  }
0x30: {  	(ifvalue) =	ssetifvalue $0x7  }
0x31: {  	s30 =	simm.s32 $0x800;
	p1 =	por $0x0, $0x0;
	(ifvalue) =	ssetifvalue $0x7  }
0x32: {  	[tilespmem:s14], [sflag:$0x3] =	stream.indirect.gather [hbm4b:s6+s13], $0x20, s30, s13, $0x40b8;
	[tilespmem:$0x19800] =	vst v63  }
0x33: {  	s25 =	simm.s32 $0x0;
	s26 =	simm.s32 $0x0;
	s31 =	rddreg [dreg:$0x6]  }
0x34: {  	[tilespmem:s13], [sflag:$0x2] =	stream.linear.gather [hbm4b:s31+s24], $0x400, $0x38;
	[tilespmem:$0x19800] =	vst v63  }
.LBB2_4:
0x35: {  	s0 =	simm.s32 $0x1  }
0x36: {  	_ =	swait.ge [sflag:s16], $0x400;
	s0 =	simm.s32 @!p1 $0x0  }
0x37: {  	[sflag:s16] =	ssyncset.done $0x0;
	s0 =	sshll.u32 s0, $0x1  }
0x38: {  	[sflag:s16] =	ssyncadd.s32 $0xFFFFFC00;
	s9 =	sadd.s32 s0, s5;
	s0 =	simm.s32 $0x0  }
0x39: {  	s7 =	sand.u32 $0xFFC00000, s25;
	s8 =	sand.u32 $0x3, s24;
	v3 =	vld [tilespmem:s0+$0x430]  }
0x3a: {  	s10 =	sor.u32 s7, s11;
	s8 =	sshll.u32 s8, $0xA;
	s9 =	sshll.u32 s9, $0xA;
	v5 =	vld [tilespmem:s0+$0x400]  }
0x3b: {  	s8 =	sadd.s32 s8, s10;
	v6 =	vld [tilespmem:s0+$0x410];
	s7 =	sor.u32 s9, s7  }
0x3c: {  	s8 =	sshrl.u32 s8, $0x3;
	v4 =	vld [tilespmem:s0+$0x420];
	s7 =	sshrl.u32 s7, $0x3  }
0x3d: {  	s28 =	sadd.s32 s8, s2;
	s8 =	simm.s32 $0x100;
	s30 =	sadd.s32 s7, s2  }
.LBB2_5:
0x3e: {  	s7 =	sshra.s32 s8, $0x2;
	p2 =	sne.s32 s8, $0xF00;
	s8 =	sadd.s32 $0x100, s8;
	vm0 =	veq.s32 v3, $0x0  }
.Ltmp1:
0x3f: {  	v3 =	vld [tilespmem:s7+$0x430];
	vm1 =	veq.s32 v5, $0x0;
	v7 =	vnsel vm0, $0x7, v1;
	(pc) =	sbr.rel @p2 .LBB2_5-.Ltmp1, $4  }
0x40: {  	v5 =	vld [tilespmem:s7+$0x400];
	v8 =	vnsel vm1, $0x7, v1;
	vm0 =	veq.s32 v6, $0x0;
	[tilespmem:s0+$0xC30] =	vst v7  }
0x41: {  	v6 =	vld [tilespmem:s7+$0x410];
	[tilespmem:s0+$0xC00] =	vst v8;
	v7 =	vnsel vm0, $0x7, v1;
	vm0 =	veq.s32 v4, $0x0  }
0x42: {  	v4 =	vld [tilespmem:s7+$0x420];
	[tilespmem:s0+$0xC10] =	vst v7;
	v7 =	vnsel vm0, $0x7, v1  }
0x43: {  	[tilespmem:s0+$0xC20] =	vst v7;
	s0 =	smov.u32 s7  }
0x44: {  	vm0 =	veq.s32 v3, $0x0  }
0x45: {  	vm1 =	veq.s32 v5, $0x0;
	v3 =	vnsel vm0, $0x7, v1  }
0x46: {  	v5 =	vnsel vm1, $0x7, v1;
	vm14 =	veq.s32 v6, $0x0;
	[tilespmem:s0+$0xC30] =	vst v3  }
0x47: {  	[tilespmem:s0+$0xC00] =	vst v5;
	v3 =	vnsel vm14, $0x7, v1;
	vm15 =	veq.s32 v4, $0x0  }
0x48: {  	[tilespmem:s0+$0xC10] =	vst v3;
	v3 =	vnsel vm15, $0x7, v1  }
0x49: {  	[tilespmem:s0+$0xC20] =	vst v3;
	(ifvalue) =	ssetifvalue $0x0  }
0x4a: {  	(ifvalue) =	ssetifvalue $0x0  }
0x4b: {  	[tilespmem:s17], [sflag:$0x4] =	stream.indirect.gather [hbm4b:s4+s13], $0x20, s13, s13, $0x40b8;
	[tilespmem:$0x19800] =	vst v63  }
0x4c: {  	s31 =	simm.s32 $0xC00;
	(ifvalue) =	ssetifvalue $0x7  }
0x4d: {  	s29 =	sshll.u32 s26, $0x1;
	p2 =	seq.s32 s26, $0x31;
	(ifvalue) =	ssetifvalue $0x7  }
0x4e: {  	[tilespmem:s17], [sflag:$0x4] =	stream.indirect.gather [hbm4b:s6+s13], $0x20, s31, s13, $0x40b8;
	[tilespmem:$0x19800] =	vst v63  }
0x4f: {  	p3 =	seq.s32 @!p2 s26, $0x0;
	s0 =	sadd.s32 @!p2 $0x2, s29;
	_ =	swait.ge [sflag:s19], $0x8000  }
0x50: {  	p3 =	por p2, !p3;
	s7 =	sshll.u32 @!p2 s0, $0xC;
	[sflag:s19] =	ssyncset.done $0x0  }
.Ltmp2:
0x51: {  	s0 =	sand.u32 @!p2 $0x2, s0;
	[sflag:s19] =	ssyncadd.s32 $0xFFFF8000;
	(pc) =	sbr.rel @!p3 .LBB2_8-.Ltmp2, $4  }
0x52: {  	s7 =	sand.u32 @!p2 $0xFC000, s7;
	s0 =	sor.u32 @!p2 s5, s0;
	_ =	swait.ge [sflag:s19], $0x8000  }
0x53: {  	s0 =	sshll.u32 @!p2 s0, $0x7;
	s7 =	sadd.s32 @!p2 s1, s7;
	[sflag:s19] =	ssyncset.done $0x0  }
0x54: {  	s0 =	sadd.s32 @!p2 s0, s7;
	s7 =	simm.s32 @!p2 $0x0;
	[sflag:s19] =	ssyncadd.s32 $0xFFFF8000  }
0x55: {  	[tilespmem:s7], [sflag:$0x1] =	stream.linear.gather @!p2 [hbm4b:s0+s7], $0x400, $0x38;
	[tilespmem:$0x19800] =	vst v63  }
0x56: {  	_ =	swait.ge [sflag:s22], $0x400  }
0x57: {  	[sflag:s22] =	ssyncset.done $0x0  }
0x58: {  	[sflag:s22] =	ssyncadd.s32 $0xFFFFFC00  }
0x59: {  	_ =	swait.ge [sflag:s22], $0x400  }
0x5a: {  	[sflag:s22] =	ssyncset.done $0x0  }
0x5b: {  	[sflag:s22] =	ssyncadd.s32 $0xFFFFFC00  }
0x5c: {  	_ =	swait.ge [sflag:s22], $0x400  }
0x5d: {  	[sflag:s22] =	ssyncset.done $0x0  }
0x5e: {  	[sflag:s22] =	ssyncadd.s32 $0xFFFFFC00  }
0x5f: {  	_ =	swait.ge [sflag:s22], $0x400  }
0x60: {  	[sflag:s22] =	ssyncset.done $0x0  }
0x61: {  	[sflag:s22] =	ssyncadd.s32 $0xFFFFFC00  }
0x62: {  	_ =	swait.ge [sflag:s22], $0x400  }
0x63: {  	[sflag:s22] =	ssyncset.done $0x0  }
0x64: {  	[sflag:s22] =	ssyncadd.s32 $0xFFFFFC00  }
0x65: {  	_ =	swait.ge [sflag:s22], $0x400  }
0x66: {  	[sflag:s22] =	ssyncset.done $0x0  }
0x67: {  	[sflag:s22] =	ssyncadd.s32 $0xFFFFFC00  }
0x68: {  	_ =	swait.ge [sflag:s22], $0x400  }
0x69: {  	[sflag:s22] =	ssyncset.done $0x0  }
0x6a: {  	[sflag:s22] =	ssyncadd.s32 $0xFFFFFC00  }
0x6b: {  	_ =	swait.ge [sflag:s22], $0x400  }
0x6c: {  	[sflag:s22] =	ssyncset.done $0x0  }
0x6d: {  	[sflag:s22] =	ssyncadd.s32 $0xFFFFFC00  }
0x6e: {  	_ =	swait.ge [sflag:s22], $0x400  }
0x6f: {  	[sflag:s22] =	ssyncset.done $0x0  }
0x70: {  	[sflag:s22] =	ssyncadd.s32 $0xFFFFFC00  }
0x71: {  	_ =	swait.ge [sflag:s22], $0x400  }
0x72: {  	[sflag:s22] =	ssyncset.done $0x0  }
0x73: {  	[sflag:s22] =	ssyncadd.s32 $0xFFFFFC00  }
0x74: {  	_ =	swait.ge [sflag:s22], $0x400  }
0x75: {  	[sflag:s22] =	ssyncset.done $0x0  }
0x76: {  	[sflag:s22] =	ssyncadd.s32 $0xFFFFFC00  }
0x77: {  	_ =	swait.ge [sflag:s22], $0x400  }
0x78: {  	[sflag:s22] =	ssyncset.done $0x0  }
0x79: {  	[sflag:s22] =	ssyncadd.s32 $0xFFFFFC00  }
0x7a: {  	_ =	swait.ge [sflag:s22], $0x400  }
0x7b: {  	[sflag:s22] =	ssyncset.done $0x0  }
0x7c: {  	[sflag:s22] =	ssyncadd.s32 $0xFFFFFC00  }
0x7d: {  	_ =	swait.ge [sflag:s22], $0x400  }
0x7e: {  	[sflag:s22] =	ssyncset.done $0x0  }
0x7f: {  	[sflag:s22] =	ssyncadd.s32 $0xFFFFFC00  }
0x80: {  	_ =	swait.ge [sflag:s22], $0x400  }
0x81: {  	[sflag:s22] =	ssyncset.done $0x0  }
0x82: {  	[sflag:s22] =	ssyncadd.s32 $0xFFFFFC00  }
0x83: {  	_ =	swait.ge [sflag:s22], $0x400  }
0x84: {  	[sflag:s22] =	ssyncset.done $0x0  }
0x85: {  	[sflag:s22] =	ssyncadd.s32 $0xFFFFFC00  }
0x86: {  	_ =	swait.ge [sflag:s22], $0x400  }
0x87: {  	[sflag:s22] =	ssyncset.done $0x0  }
0x88: {  	[sflag:s22] =	ssyncadd.s32 $0xFFFFFC00  }
0x89: {  	_ =	swait.ge [sflag:s22], $0x400  }
0x8a: {  	[sflag:s22] =	ssyncset.done $0x0  }
0x8b: {  	[sflag:s22] =	ssyncadd.s32 $0xFFFFFC00  }
0x8c: {  	_ =	swait.ge [sflag:s22], $0x400  }
0x8d: {  	[sflag:s22] =	ssyncset.done $0x0  }
0x8e: {  	[sflag:s22] =	ssyncadd.s32 $0xFFFFFC00  }
0x8f: {  	_ =	swait.ge [sflag:s22], $0x400  }
0x90: {  	[sflag:s22] =	ssyncset.done $0x0  }
0x91: {  	[sflag:s22] =	ssyncadd.s32 $0xFFFFFC00  }
0x92: {  	_ =	swait.ge [sflag:s22], $0x400  }
0x93: {  	[sflag:s22] =	ssyncset.done $0x0  }
0x94: {  	[sflag:s22] =	ssyncadd.s32 $0xFFFFFC00  }
0x95: {  	_ =	swait.ge [sflag:s22], $0x400  }
0x96: {  	[sflag:s22] =	ssyncset.done $0x0  }
0x97: {  	[sflag:s22] =	ssyncadd.s32 $0xFFFFFC00  }
0x98: {  	_ =	swait.ge [sflag:s22], $0x400  }
0x99: {  	[sflag:s22] =	ssyncset.done $0x0  }
0x9a: {  	[sflag:s22] =	ssyncadd.s32 $0xFFFFFC00  }
0x9b: {  	_ =	swait.ge [sflag:s22], $0x400  }
0x9c: {  	[sflag:s22] =	ssyncset.done $0x0  }
0x9d: {  	[sflag:s22] =	ssyncadd.s32 $0xFFFFFC00  }
0x9e: {  	_ =	swait.ge [sflag:s22], $0x400  }
0x9f: {  	[sflag:s22] =	ssyncset.done $0x0  }
0xa0: {  	[sflag:s22] =	ssyncadd.s32 $0xFFFFFC00  }
0xa1: {  	_ =	swait.ge [sflag:s22], $0x400  }
0xa2: {  	[sflag:s22] =	ssyncset.done $0x0  }
0xa3: {  	[sflag:s22] =	ssyncadd.s32 $0xFFFFFC00  }
0xa4: {  	_ =	swait.ge [sflag:s22], $0x400  }
0xa5: {  	[sflag:s22] =	ssyncset.done $0x0  }
0xa6: {  	[sflag:s22] =	ssyncadd.s32 $0xFFFFFC00  }
0xa7: {  	_ =	swait.ge [sflag:s22], $0x400  }
0xa8: {  	[sflag:s22] =	ssyncset.done $0x0  }
0xa9: {  	[sflag:s22] =	ssyncadd.s32 $0xFFFFFC00  }
0xaa: {  	_ =	swait.ge [sflag:s22], $0x400  }
0xab: {  	[sflag:s22] =	ssyncset.done $0x0  }
0xac: {  	[sflag:s22] =	ssyncadd.s32 $0xFFFFFC00  }
0xad: {  	_ =	swait.ge [sflag:s22], $0x400  }
0xae: {  	[sflag:s22] =	ssyncset.done $0x0  }
0xaf: {  	[sflag:s22] =	ssyncadd.s32 $0xFFFFFC00  }
0xb0: {  	_ =	swait.ge [sflag:s22], $0x400  }
0xb1: {  	[sflag:s22] =	ssyncset.done $0x0  }
0xb2: {  	[sflag:s22] =	ssyncadd.s32 $0xFFFFFC00  }
0xb3: {  	_ =	swait.ge [sflag:s22], $0x400  }
0xb4: {  	[sflag:s22] =	ssyncset.done $0x0  }
0xb5: {  	[sflag:s22] =	ssyncadd.s32 $0xFFFFFC00  }
.LBB2_8:
0xb6: {  	s31 =	simm.s32 $0x0;
	s0 =	simm.s32 $0x1080;
	s8 =	simm.s32 $0x11000  }
.LBB2_9:
0xb7: {  	s7 =	sshll.u32 s31, $0x5  }
0xb8: {  	v3 =	vmov s7  }
0xb9: {  	v4 =	vmul.u32 $0x88, v3;
	v3 =	vmov s0;
	_ =	sdelay $0x1  }
0xba: {  	v5 =	vbroadcast v4, $0x0;
	_ =	sdelay $0x1  }
0xbb: {  	v6 =	vimm.s32 $0x0;
	s23 =	simm.s32 $0x0;
	v4 =	vadd.s32 v0, v5  }
0xbc: {  	v7 =	vld.idx.msk [tilespmem:v3+s23+$0xFFFFFF80 ss:$0x1], $0xffff;
	v8 =	vadd.s32 v6, v4;
	_ =	sdelay $0x4  }
0xbd: {  	v5 =	vadd.s32 v2, v5;
	[tilespmem:v8+s20+$0x0] =	vst.idx.msk $0xffff, v7  }
0xbe: {  	v9 =	vadd.s32 v6, v5;
	v7 =	vld.idx.msk [tilespmem:v3+s23+$0xFFFFFF90 ss:$0x1], $0xffff;
	_ =	sdelay $0x4  }
0xbf: {  	[tilespmem:v9+s20+$0x0] =	vst.idx.msk $0xffff, v7  }
0xc0: {  	v10 =	vor.u32 $0x1, v8;
	v7 =	vld.idx.msk [tilespmem:v3+s23+$0xFFFFFFA0 ss:$0x1], $0xffff;
	_ =	sdelay $0x4  }
0xc1: {  	[tilespmem:v10+s20+$0x0] =	vst.idx.msk $0xffff, v7  }
0xc2: {  	v53 =	vor.u32 $0x1, v9;
	v7 =	vld.idx.msk [tilespmem:v3+s23+$0xFFFFFFB0 ss:$0x1], $0xffff;
	_ =	sdelay $0x4  }
0xc3: {  	[tilespmem:v53+s20+$0x0] =	vst.idx.msk $0xffff, v7  }
0xc4: {  	v54 =	vor.u32 $0x2, v8;
	v7 =	vld.idx.msk [tilespmem:v3+s23+$0xFFFFFFC0 ss:$0x1], $0xffff;
	_ =	sdelay $0x4  }
0xc5: {  	[tilespmem:v54+s20+$0x0] =	vst.idx.msk $0xffff, v7  }
0xc6: {  	v55 =	vor.u32 $0x2, v9;
	v7 =	vld.idx.msk [tilespmem:v3+s23+$0xFFFFFFD0 ss:$0x1], $0xffff;
	_ =	sdelay $0x4  }
0xc7: {  	[tilespmem:v55+s20+$0x0] =	vst.idx.msk $0xffff, v7  }
0xc8: {  	v56 =	vor.u32 $0x3, v8;
	v7 =	vld.idx.msk [tilespmem:v3+s23+$0xFFFFFFE0 ss:$0x1], $0xffff;
	_ =	sdelay $0x4  }
0xc9: {  	[tilespmem:v56+s20+$0x0] =	vst.idx.msk $0xffff, v7  }
0xca: {  	v57 =	vor.u32 $0x3, v9;
	v7 =	vld.idx.msk [tilespmem:v3+s23+$0xFFFFFFF0 ss:$0x1], $0xffff;
	_ =	sdelay $0x4  }
0xcb: {  	[tilespmem:v57+s20+$0x0] =	vst.idx.msk $0xffff, v7  }
0xcc: {  	v58 =	vor.u32 $0x4, v8;
	v7 =	vld.idx.msk [tilespmem:v3+s23+$0x0 ss:$0x1], $0xffff;
	_ =	sdelay $0x4  }
0xcd: {  	[tilespmem:v58+s20+$0x0] =	vst.idx.msk $0xffff, v7  }
0xce: {  	v59 =	vor.u32 $0x4, v9;
	v7 =	vld.idx.msk [tilespmem:v3+s23+$0x10 ss:$0x1], $0xffff;
	_ =	sdelay $0x4  }
0xcf: {  	[tilespmem:v59+s20+$0x0] =	vst.idx.msk $0xffff, v7  }
0xd0: {  	v60 =	vor.u32 $0x5, v8;
	v7 =	vld.idx.msk [tilespmem:v3+s23+$0x20 ss:$0x1], $0xffff;
	_ =	sdelay $0x4  }
0xd1: {  	[tilespmem:v60+s20+$0x0] =	vst.idx.msk $0xffff, v7  }
0xd2: {  	v61 =	vor.u32 $0x5, v9;
	v7 =	vld.idx.msk [tilespmem:v3+s23+$0x30 ss:$0x1], $0xffff;
	_ =	sdelay $0x4  }
0xd3: {  	[tilespmem:v61+s20+$0x0] =	vst.idx.msk $0xffff, v7  }
0xd4: {  	v62 =	vor.u32 $0x6, v8;
	v7 =	vld.idx.msk [tilespmem:v3+s23+$0x40 ss:$0x1], $0xffff;
	_ =	sdelay $0x4  }
0xd5: {  	[tilespmem:v62+s20+$0x0] =	vst.idx.msk $0xffff, v7  }
0xd6: {  	v63 =	vor.u32 $0x6, v9;
	v7 =	vld.idx.msk [tilespmem:v3+s23+$0x50 ss:$0x1], $0xffff;
	_ =	sdelay $0x4  }
0xd7: {  	[tilespmem:v63+s20+$0x0] =	vst.idx.msk $0xffff, v7  }
0xd8: {  	v8 =	vor.u32 $0x7, v8;
	v7 =	vld.idx.msk [tilespmem:v3+s23+$0x60 ss:$0x1], $0xffff;
	_ =	sdelay $0x4  }
0xd9: {  	[tilespmem:v8+s20+$0x0] =	vst.idx.msk $0xffff, v7  }
0xda: {  	v8 =	vor.u32 $0x7, v9;
	v7 =	vld.idx.msk [tilespmem:v3+s23+$0x70 ss:$0x1], $0xffff;
	_ =	sdelay $0x4  }
0xdb: {  	s9 =	simm.s32 $0x100;
	s10 =	simm.s32 $0x800;
	[tilespmem:v8+s20+$0x0] =	vst.idx.msk $0xffff, v7  }
.LBB2_10:
0xdc: {  	p3 =	sne.s32 s10, $0x3C00;
	v8 =	vld.idx.msk [tilespmem:v3+s9+$0xFFFFFF80 ss:$0x1], $0xffff;
	v6 =	vadd.s32 $0x8, v6  }
0xdd: {  	v7 =	vadd.s32 v6, v4;
	_ =	sdelay $0x4  }
0xde: {  	[tilespmem:v7+s20+$0x0] =	vst.idx.msk $0xffff, v8  }
0xdf: {  	v9 =	vld.idx.msk [tilespmem:v3+s9+$0xFFFFFF90 ss:$0x1], $0xffff  }
0xe0: {  	v8 =	vadd.s32 v6, v5;
	_ =	sdelay $0x4  }
0xe1: {  	[tilespmem:v8+s20+$0x0] =	vst.idx.msk $0xffff, v9  }
0xe2: {  	v9 =	vld.idx.msk [tilespmem:v3+s9+$0xFFFFFFA0 ss:$0x1], $0xffff  }
0xe3: {  	v10 =	vor.u32 $0x1, v7;
	_ =	sdelay $0x4  }
0xe4: {  	[tilespmem:v10+s20+$0x0] =	vst.idx.msk $0xffff, v9  }
0xe5: {  	v9 =	vld.idx.msk [tilespmem:v3+s9+$0xFFFFFFB0 ss:$0x1], $0xffff  }
0xe6: {  	v10 =	vor.u32 $0x1, v8;
	_ =	sdelay $0x4  }
0xe7: {  	[tilespmem:v10+s20+$0x0] =	vst.idx.msk $0xffff, v9  }
0xe8: {  	v9 =	vld.idx.msk [tilespmem:v3+s9+$0xFFFFFFC0 ss:$0x1], $0xffff  }
0xe9: {  	v10 =	vor.u32 $0x2, v7;
	_ =	sdelay $0x4  }
0xea: {  	[tilespmem:v10+s20+$0x0] =	vst.idx.msk $0xffff, v9  }
0xeb: {  	v9 =	vld.idx.msk [tilespmem:v3+s9+$0xFFFFFFD0 ss:$0x1], $0xffff  }
0xec: {  	v10 =	vor.u32 $0x2, v8;
	_ =	sdelay $0x4  }
0xed: {  	[tilespmem:v10+s20+$0x0] =	vst.idx.msk $0xffff, v9  }
0xee: {  	v9 =	vld.idx.msk [tilespmem:v3+s9+$0xFFFFFFE0 ss:$0x1], $0xffff  }
0xef: {  	v10 =	vor.u32 $0x3, v7;
	_ =	sdelay $0x4  }
0xf0: {  	[tilespmem:v10+s20+$0x0] =	vst.idx.msk $0xffff, v9  }
0xf1: {  	v9 =	vld.idx.msk [tilespmem:v3+s9+$0xFFFFFFF0 ss:$0x1], $0xffff  }
0xf2: {  	v10 =	vor.u32 $0x3, v8;
	_ =	sdelay $0x4  }
0xf3: {  	[tilespmem:v10+s20+$0x0] =	vst.idx.msk $0xffff, v9  }
0xf4: {  	v9 =	vld.idx.msk [tilespmem:v3+s9+$0x0 ss:$0x1], $0xffff  }
0xf5: {  	v10 =	vor.u32 $0x4, v7;
	_ =	sdelay $0x4  }
0xf6: {  	[tilespmem:v10+s20+$0x0] =	vst.idx.msk $0xffff, v9  }
0xf7: {  	v9 =	vld.idx.msk [tilespmem:v3+s9+$0x10 ss:$0x1], $0xffff  }
0xf8: {  	v10 =	vor.u32 $0x4, v8;
	_ =	sdelay $0x4  }
0xf9: {  	[tilespmem:v10+s20+$0x0] =	vst.idx.msk $0xffff, v9  }
0xfa: {  	v9 =	vld.idx.msk [tilespmem:v3+s9+$0x20 ss:$0x1], $0xffff  }
0xfb: {  	v10 =	vor.u32 $0x5, v7;
	_ =	sdelay $0x4  }
0xfc: {  	[tilespmem:v10+s20+$0x0] =	vst.idx.msk $0xffff, v9  }
0xfd: {  	v9 =	vld.idx.msk [tilespmem:v3+s9+$0x30 ss:$0x1], $0xffff  }
0xfe: {  	v10 =	vor.u32 $0x5, v8;
	_ =	sdelay $0x4  }
0xff: {  	[tilespmem:v10+s20+$0x0] =	vst.idx.msk $0xffff, v9  }
0x100: {  	v9 =	vld.idx.msk [tilespmem:v3+s9+$0x40 ss:$0x1], $0xffff  }
0x101: {  	v10 =	vor.u32 $0x6, v7;
	_ =	sdelay $0x4  }
0x102: {  	[tilespmem:v10+s20+$0x0] =	vst.idx.msk $0xffff, v9  }
0x103: {  	v9 =	vld.idx.msk [tilespmem:v3+s9+$0x50 ss:$0x1], $0xffff  }
0x104: {  	v10 =	vor.u32 $0x6, v8;
	_ =	sdelay $0x4  }
0x105: {  	[tilespmem:v10+s20+$0x0] =	vst.idx.msk $0xffff, v9  }
0x106: {  	v9 =	vld.idx.msk [tilespmem:v3+s9+$0x60 ss:$0x1], $0xffff  }
0x107: {  	v7 =	vor.u32 $0x7, v7;
	_ =	sdelay $0x4  }
0x108: {  	[tilespmem:v7+s20+$0x0] =	vst.idx.msk $0xffff, v9  }
0x109: {  	v7 =	vld.idx.msk [tilespmem:v3+s9+$0x70 ss:$0x1], $0xffff  }
0x10a: {  	v8 =	vor.u32 $0x7, v8  }
.Ltmp3:
0x10b: {  	(pc) =	sbr.rel @p3 .LBB2_10-.Ltmp3, $2  }
0x10c: {  	_ =	sdelay $0x2  }
0x10d: {  	s9 =	sshra.s32 s10, $0x2;
	s10 =	sadd.s32 $0x400, s10;
	[tilespmem:v8+s20+$0x0] =	vst.idx.msk $0xffff, v7  }
0x10e: {  	_ =	sdelay $0x2  }
0x10f: {  	v6 =	vadd.s32 $0x8, v6  }
0x110: {  	v7 =	vld.idx.msk [tilespmem:v3+s9+$0xFFFFFF80 ss:$0x1], $0xffff;
	v4 =	vadd.s32 v6, v4;
	_ =	sdelay $0x4  }
0x111: {  	[tilespmem:v4+s20+$0x0] =	vst.idx.msk $0xffff, v7  }
0x112: {  	v5 =	vadd.s32 v6, v5;
	v7 =	vld.idx.msk [tilespmem:v3+s9+$0xFFFFFF90 ss:$0x1], $0xffff;
	_ =	sdelay $0x4  }
0x113: {  	[tilespmem:v5+s20+$0x0] =	vst.idx.msk $0xffff, v7  }
0x114: {  	v51 =	vor.u32 $0x1, v4;
	v50 =	vld.idx.msk [tilespmem:v3+s9+$0xFFFFFFA0 ss:$0x1], $0xffff;
	_ =	sdelay $0x4  }
0x115: {  	[tilespmem:v51+s20+$0x0] =	vst.idx.msk $0xffff, v50  }
0x116: {  	v52 =	vor.u32 $0x1, v5;
	v6 =	vld.idx.msk [tilespmem:v3+s9+$0xFFFFFFB0 ss:$0x1], $0xffff;
	_ =	sdelay $0x4  }
0x117: {  	[tilespmem:v52+s20+$0x0] =	vst.idx.msk $0xffff, v6  }
0x118: {  	v53 =	vor.u32 $0x2, v4;
	v6 =	vld.idx.msk [tilespmem:v3+s9+$0xFFFFFFC0 ss:$0x1], $0xffff;
	_ =	sdelay $0x4  }
0x119: {  	[tilespmem:v53+s20+$0x0] =	vst.idx.msk $0xffff, v6  }
0x11a: {  	v54 =	vor.u32 $0x2, v5;
	v6 =	vld.idx.msk [tilespmem:v3+s9+$0xFFFFFFD0 ss:$0x1], $0xffff;
	_ =	sdelay $0x4  }
0x11b: {  	[tilespmem:v54+s20+$0x0] =	vst.idx.msk $0xffff, v6  }
0x11c: {  	v55 =	vor.u32 $0x3, v4;
	v6 =	vld.idx.msk [tilespmem:v3+s9+$0xFFFFFFE0 ss:$0x1], $0xffff;
	_ =	sdelay $0x4  }
0x11d: {  	[tilespmem:v55+s20+$0x0] =	vst.idx.msk $0xffff, v6  }
0x11e: {  	v56 =	vor.u32 $0x3, v5;
	v6 =	vld.idx.msk [tilespmem:v3+s9+$0xFFFFFFF0 ss:$0x1], $0xffff;
	_ =	sdelay $0x4  }
0x11f: {  	[tilespmem:v56+s20+$0x0] =	vst.idx.msk $0xffff, v6  }
0x120: {  	v57 =	vor.u32 $0x4, v4;
	v6 =	vld.idx.msk [tilespmem:v3+s9+$0x0 ss:$0x1], $0xffff;
	_ =	sdelay $0x4  }
0x121: {  	[tilespmem:v57+s20+$0x0] =	vst.idx.msk $0xffff, v6  }
0x122: {  	v58 =	vor.u32 $0x4, v5;
	v6 =	vld.idx.msk [tilespmem:v3+s9+$0x10 ss:$0x1], $0xffff;
	_ =	sdelay $0x4  }
0x123: {  	[tilespmem:v58+s20+$0x0] =	vst.idx.msk $0xffff, v6  }
0x124: {  	v59 =	vor.u32 $0x5, v4;
	v6 =	vld.idx.msk [tilespmem:v3+s9+$0x20 ss:$0x1], $0xffff;
	_ =	sdelay $0x4  }
0x125: {  	[tilespmem:v59+s20+$0x0] =	vst.idx.msk $0xffff, v6  }
0x126: {  	v60 =	vor.u32 $0x5, v5;
	v6 =	vld.idx.msk [tilespmem:v3+s9+$0x30 ss:$0x1], $0xffff;
	_ =	sdelay $0x4  }
0x127: {  	[tilespmem:v60+s20+$0x0] =	vst.idx.msk $0xffff, v6  }
0x128: {  	v61 =	vor.u32 $0x6, v4;
	v6 =	vld.idx.msk [tilespmem:v3+s9+$0x40 ss:$0x1], $0xffff;
	_ =	sdelay $0x4  }
0x129: {  	[tilespmem:v61+s20+$0x0] =	vst.idx.msk $0xffff, v6  }
0x12a: {  	v62 =	vor.u32 $0x6, v5;
	v6 =	vld.idx.msk [tilespmem:v3+s9+$0x50 ss:$0x1], $0xffff;
	_ =	sdelay $0x4  }
0x12b: {  	[tilespmem:v62+s20+$0x0] =	vst.idx.msk $0xffff, v6  }
0x12c: {  	v4 =	vor.u32 $0x7, v4;
	v6 =	vld.idx.msk [tilespmem:v3+s9+$0x60 ss:$0x1], $0xffff;
	_ =	sdelay $0x4  }
0x12d: {  	[tilespmem:v4+s20+$0x0] =	vst.idx.msk $0xffff, v6  }
0x12e: {  	v63 =	vor.u32 $0x7, v5;
	v3 =	vld.idx.msk [tilespmem:v3+s9+$0x70 ss:$0x1], $0xffff;
	_ =	sdelay $0x4  }
0x12f: {  	s9 =	sadd.s32 $0x0, s8;
	[tilespmem:v63+s20+$0x0] =	vst.idx.msk $0xffff, v3  }
0x130: {  	[hbm4b:s30+s3] =	stream.linear.scatter [tilespmem:s9], [sflag:$0x5], $0x80, $0x38;
	[tilespmem:$0x19800] =	vst v63  }
0x131: {  	s10 =	sadd.s32 $0x10, s30;
	s7 =	sadd.s32 $0x88, s9  }
0x132: {  	[hbm4b:s10+s3] =	stream.linear.scatter [tilespmem:s7], [sflag:$0x5], $0x80, $0x38;
	[tilespmem:$0x19800] =	vst v63  }
0x133: {  	s23 =	sadd.s32 $0x20, s30;
	s18 =	sadd.s32 $0x110, s9  }
0x134: {  	[hbm4b:s23+s3] =	stream.linear.scatter [tilespmem:s18], [sflag:$0x5], $0x80, $0x38;
	[tilespmem:$0x19800] =	vst v63  }
0x135: {  	s15 =	sadd.s32 $0x30, s30;
	s10 =	sadd.s32 $0x198, s9  }
0x136: {  	[hbm4b:s15+s3] =	stream.linear.scatter [tilespmem:s10], [sflag:$0x5], $0x80, $0x38;
	[tilespmem:$0x19800] =	vst v63  }
0x137: {  	s18 =	sadd.s32 $0x220, s9;
	s23 =	sadd.s32 $0x40, s30  }
0x138: {  	[hbm4b:s23+s3] =	stream.linear.scatter [tilespmem:s18], [sflag:$0x5], $0x80, $0x38;
	[tilespmem:$0x19800] =	vst v63  }
0x139: {  	s7 =	simm.s32 $0x2200;
	s10 =	sadd.s32 $0x2A8, s9;
	s15 =	sadd.s32 $0x50, s30  }
0x13a: {  	[hbm4b:s15+s3] =	stream.linear.scatter [tilespmem:s10], [sflag:$0x5], $0x80, $0x38;
	[tilespmem:$0x19800] =	vst v63  }
0x13b: {  	s18 =	sadd.s32 $0x330, s9;
	s23 =	sadd.s32 $0x60, s30;
	s10 =	simm.s32 $0x440  }
0x13c: {  	[hbm4b:s23+s3] =	stream.linear.scatter [tilespmem:s18], [sflag:$0x5], $0x80, $0x38;
	[tilespmem:$0x19800] =	vst v63  }
0x13d: {  	s15 =	sadd.s32 $0x70, s30;
	s23 =	sadd.s32 $0x3B8, s9;
	s9 =	sadd.s32 $0x4000, s30  }
.LBB2_12:
0x13e: {  	[hbm4b:s15+s3] =	stream.linear.scatter [tilespmem:s23], [sflag:$0x5], $0x80, $0x38;
	[tilespmem:$0x19800] =	vst v63  }
0x13f: {  	s15 =	smov.u32 s7  }
0x140: {  	s18 =	sadd.s32 $0x1100, s7;
	s23 =	sadd.s32 s10, s8;
	s10 =	sshra.s32 s15, $0x2  }
0x141: {  	[hbm4b:s9+s3] =	stream.linear.scatter [tilespmem:s23], [sflag:$0x5], $0x80, $0x38;
	[tilespmem:$0x19800] =	vst v63  }
0x142: {  	p3 =	sne.s32 s7, $0x3300;
	s7 =	sadd.s32 $0x88, s23;
	s15 =	sadd.s32 $0x10, s9  }
0x143: {  	[hbm4b:s15+s3] =	stream.linear.scatter [tilespmem:s7], [sflag:$0x5], $0x80, $0x38;
	[tilespmem:$0x19800] =	vst v63  }
0x144: {  	s7 =	sadd.s32 $0x110, s23;
	s15 =	sadd.s32 $0x20, s9  }
0x145: {  	[hbm4b:s15+s3] =	stream.linear.scatter [tilespmem:s7], [sflag:$0x5], $0x80, $0x38;
	[tilespmem:$0x19800] =	vst v63  }
0x146: {  	s7 =	sadd.s32 $0x198, s23;
	s15 =	sadd.s32 $0x30, s9  }
0x147: {  	[hbm4b:s15+s3] =	stream.linear.scatter [tilespmem:s7], [sflag:$0x5], $0x80, $0x38;
	[tilespmem:$0x19800] =	vst v63  }
0x148: {  	s7 =	sadd.s32 $0x220, s23;
	s15 =	sadd.s32 $0x40, s9  }
0x149: {  	[hbm4b:s15+s3] =	stream.linear.scatter [tilespmem:s7], [sflag:$0x5], $0x80, $0x38;
	[tilespmem:$0x19800] =	vst v63  }
.Ltmp4:
0x14a: {  	s7 =	sadd.s32 $0x2A8, s23;
	s15 =	sadd.s32 $0x50, s9;
	(pc) =	sbr.rel @p3 .LBB2_12-.Ltmp4, $4  }
0x14b: {  	[hbm4b:s15+s3] =	stream.linear.scatter [tilespmem:s7], [sflag:$0x5], $0x80, $0x38;
	[tilespmem:$0x19800] =	vst v63  }
0x14c: {  	s7 =	sadd.s32 $0x330, s23;
	s15 =	sadd.s32 $0x60, s9;
	s23 =	sadd.s32 $0x3B8, s23  }
0x14d: {  	[hbm4b:s15+s3] =	stream.linear.scatter [tilespmem:s7], [sflag:$0x5], $0x80, $0x38;
	[tilespmem:$0x19800] =	vst v63  }
0x14e: {  	s15 =	sadd.s32 $0x70, s9;
	s9 =	sadd.s32 $0x4000, s9;
	s7 =	smov.u32 s18  }
0x14f: {  	[hbm4b:s15+s3] =	stream.linear.scatter [tilespmem:s23], [sflag:$0x5], $0x80, $0x38;
	[tilespmem:$0x19800] =	vst v63  }
0x150: {  	s7 =	sadd.s32 s10, s8  }
0x151: {  	[hbm4b:s9+s3] =	stream.linear.scatter [tilespmem:s7], [sflag:$0x5], $0x80, $0x38;
	[tilespmem:$0x19800] =	vst v63  }
0x152: {  	s23 =	sadd.s32 $0x10, s9;
	s10 =	sadd.s32 $0x88, s7  }
0x153: {  	[hbm4b:s23+s3] =	stream.linear.scatter [tilespmem:s10], [sflag:$0x5], $0x80, $0x38;
	[tilespmem:$0x19800] =	vst v63  }
0x154: {  	s18 =	sadd.s32 $0x110, s7;
	s23 =	sadd.s32 $0x20, s9  }
0x155: {  	[hbm4b:s23+s3] =	stream.linear.scatter [tilespmem:s18], [sflag:$0x5], $0x80, $0x38;
	[tilespmem:$0x19800] =	vst v63  }
0x156: {  	s18 =	sadd.s32 $0x198, s7;
	s23 =	sadd.s32 $0x30, s9  }
0x157: {  	[hbm4b:s23+s3] =	stream.linear.scatter [tilespmem:s18], [sflag:$0x5], $0x80, $0x38;
	[tilespmem:$0x19800] =	vst v63  }
0x158: {  	s31 =	sadd.s32 $0x1, s31;
	s18 =	sadd.s32 $0x220, s7;
	s23 =	sadd.s32 $0x40, s9  }
0x159: {  	[hbm4b:s23+s3] =	stream.linear.scatter [tilespmem:s18], [sflag:$0x5], $0x80, $0x38;
	[tilespmem:$0x19800] =	vst v63  }
0x15a: {  	p3 =	sne.s32 s31, $0x8;
	s18 =	sadd.s32 $0x2A8, s7;
	s23 =	sadd.s32 $0x50, s9  }
0x15b: {  	[hbm4b:s23+s3] =	stream.linear.scatter [tilespmem:s18], [sflag:$0x5], $0x80, $0x38;
	[tilespmem:$0x19800] =	vst v63  }
.Ltmp5:
0x15c: {  	s0 =	sadd.s32 $0x1000, s0;
	(pc) =	sbr.rel @p3 .LBB2_9-.Ltmp5, $4  }
0x15d: {  	s30 =	sadd.s32 $0x10000, s30;
	s15 =	sadd.s32 $0x330, s7;
	s18 =	sadd.s32 $0x60, s9  }
0x15e: {  	[hbm4b:s18+s3] =	stream.linear.scatter [tilespmem:s15], [sflag:$0x5], $0x80, $0x38;
	[tilespmem:$0x19800] =	vst v63  }
0x15f: {  	s8 =	sadd.s32 $0x1100, s8;
	s7 =	sadd.s32 $0x3B8, s7;
	s23 =	sadd.s32 $0x70, s9  }
0x160: {  	[hbm4b:s23+s3] =	stream.linear.scatter [tilespmem:s7], [sflag:$0x5], $0x80, $0x38;
	[tilespmem:$0x19800] =	vst v63  }
0x161: {  	s0 =	sor.u32 $0x1, s29  }
0x162: {  	p3 =	sgt.u32 s0, $0x62  }
.Ltmp6:
0x163: {  	_ = 	snop;
	(pc) =	sbr.rel @p3 .LBB2_18-.Ltmp6, $1  }
0x164: {  	_ =	sdelay $0x3  }
0x165: {  	_ =	swait.ge [sflag:s12], $0x400  }
0x166: {  	[sflag:s12] =	ssyncset.done $0x0  }
0x167: {  	s0 =	simm.s32 $0x0;
	[sflag:s12] =	ssyncadd.s32 $0xFFFFFC00  }
0x168: {  	v5 =	vld [tilespmem:s0+$0x30]  }
0x169: {  	v6 =	vld [tilespmem:s0+$0x0]  }
0x16a: {  	v4 =	vld [tilespmem:s0+$0x10]  }
0x16b: {  	v3 =	vld [tilespmem:s0+$0x20]  }
0x16c: {  	s8 =	simm.s32 $0x100  }
.LBB2_16:
0x16d: {  	s7 =	sshra.s32 s8, $0x2;
	p3 =	sne.s32 s8, $0xF00;
	s8 =	sadd.s32 $0x100, s8;
	vm0 =	veq.s32 v5, $0x0  }
.Ltmp7:
0x16e: {  	v5 =	vld [tilespmem:s7+$0x30];
	vm1 =	veq.s32 v6, $0x0;
	v7 =	vnsel vm0, $0x7, v1;
	(pc) =	sbr.rel @p3 .LBB2_16-.Ltmp7, $4  }
0x16f: {  	v6 =	vld [tilespmem:s7+$0x0];
	v8 =	vnsel vm1, $0x7, v1;
	vm0 =	veq.s32 v4, $0x0;
	[tilespmem:s0+$0x830] =	vst v7  }
0x170: {  	v4 =	vld [tilespmem:s7+$0x10];
	[tilespmem:s0+$0x800] =	vst v8;
	v7 =	vnsel vm0, $0x7, v1;
	vm0 =	veq.s32 v3, $0x0  }
0x171: {  	v3 =	vld [tilespmem:s7+$0x20];
	[tilespmem:s0+$0x810] =	vst v7;
	v7 =	vnsel vm0, $0x7, v1  }
0x172: {  	[tilespmem:s0+$0x820] =	vst v7;
	s0 =	smov.u32 s7  }
0x173: {  	vm0 =	veq.s32 v5, $0x0  }
0x174: {  	vm1 =	veq.s32 v6, $0x0;
	v5 =	vnsel vm0, $0x7, v1  }
0x175: {  	v6 =	vnsel vm1, $0x7, v1;
	vm14 =	veq.s32 v4, $0x0;
	[tilespmem:s0+$0x830] =	vst v5  }
0x176: {  	[tilespmem:s0+$0x800] =	vst v6;
	v4 =	vnsel vm14, $0x7, v1;
	vm15 =	veq.s32 v3, $0x0  }
0x177: {  	[tilespmem:s0+$0x810] =	vst v4;
	v3 =	vnsel vm15, $0x7, v1  }
0x178: {  	[tilespmem:s0+$0x820] =	vst v3;
	(ifvalue) =	ssetifvalue $0x0  }
0x179: {  	(ifvalue) =	ssetifvalue $0x0  }
0x17a: {  	[tilespmem:s14], [sflag:$0x3] =	stream.indirect.gather [hbm4b:s4+s13], $0x20, s3, s13, $0x40b8;
	[tilespmem:$0x19800] =	vst v63  }
0x17b: {  	(ifvalue) =	ssetifvalue $0x7  }
0x17c: {  	s31 =	simm.s32 $0x800;
	(ifvalue) =	ssetifvalue $0x7  }
0x17d: {  	[tilespmem:s14], [sflag:$0x3] =	stream.indirect.gather [hbm4b:s6+s13], $0x20, s31, s13, $0x40b8;
	[tilespmem:$0x19800] =	vst v63  }
.LBB2_18:
0x17e: {  	_ =	swait.ge [sflag:s21], $0x8000  }
0x17f: {  	s0 =	sadd.s32 @!p2 $0x3, s29;
	s8 =	simm.s32 @!p2 $0x400;
	[sflag:s21] =	ssyncset.done $0x0  }
0x180: {  	s7 =	sshll.u32 @!p2 s0, $0xC;
	s0 =	sand.u32 @!p2 $0x3, s0;
	[sflag:s21] =	ssyncadd.s32 $0xFFFF8000  }
0x181: {  	s7 =	sand.u32 @!p2 $0xFC000, s7;
	s0 =	sor.u32 @!p2 s5, s0;
	_ =	swait.ge [sflag:s21], $0x8000  }
0x182: {  	s0 =	sshll.u32 @!p2 s0, $0x7;
	s7 =	sadd.s32 @!p2 s1, s7;
	[sflag:s21] =	ssyncset.done $0x0  }
0x183: {  	s0 =	sadd.s32 @!p2 s0, s7;
	s7 =	simm.s32 @!p2 $0x0;
	[sflag:s21] =	ssyncadd.s32 $0xFFFF8000  }
0x184: {  	[tilespmem:s8], [sflag:$0x2] =	stream.linear.gather @!p2 [hbm4b:s0+s7], $0x400, $0x38;
	[tilespmem:$0x19800] =	vst v63  }
0x185: {  	_ =	swait.ge [sflag:s22], $0x400  }
0x186: {  	[sflag:s22] =	ssyncset.done $0x0  }
0x187: {  	[sflag:s22] =	ssyncadd.s32 $0xFFFFFC00  }
0x188: {  	_ =	swait.ge [sflag:s22], $0x400  }
0x189: {  	[sflag:s22] =	ssyncset.done $0x0  }
0x18a: {  	[sflag:s22] =	ssyncadd.s32 $0xFFFFFC00  }
0x18b: {  	_ =	swait.ge [sflag:s22], $0x400  }
0x18c: {  	[sflag:s22] =	ssyncset.done $0x0  }
0x18d: {  	[sflag:s22] =	ssyncadd.s32 $0xFFFFFC00  }
0x18e: {  	_ =	swait.ge [sflag:s22], $0x400  }
0x18f: {  	[sflag:s22] =	ssyncset.done $0x0  }
0x190: {  	[sflag:s22] =	ssyncadd.s32 $0xFFFFFC00  }
0x191: {  	_ =	swait.ge [sflag:s22], $0x400  }
0x192: {  	[sflag:s22] =	ssyncset.done $0x0  }
0x193: {  	[sflag:s22] =	ssyncadd.s32 $0xFFFFFC00  }
0x194: {  	_ =	swait.ge [sflag:s22], $0x400  }
0x195: {  	[sflag:s22] =	ssyncset.done $0x0  }
0x196: {  	[sflag:s22] =	ssyncadd.s32 $0xFFFFFC00  }
0x197: {  	_ =	swait.ge [sflag:s22], $0x400  }
0x198: {  	[sflag:s22] =	ssyncset.done $0x0  }
0x199: {  	[sflag:s22] =	ssyncadd.s32 $0xFFFFFC00  }
0x19a: {  	_ =	swait.ge [sflag:s22], $0x400  }
0x19b: {  	[sflag:s22] =	ssyncset.done $0x0  }
0x19c: {  	[sflag:s22] =	ssyncadd.s32 $0xFFFFFC00  }
0x19d: {  	_ =	swait.ge [sflag:s22], $0x400  }
0x19e: {  	[sflag:s22] =	ssyncset.done $0x0  }
0x19f: {  	[sflag:s22] =	ssyncadd.s32 $0xFFFFFC00  }
0x1a0: {  	_ =	swait.ge [sflag:s22], $0x400  }
0x1a1: {  	[sflag:s22] =	ssyncset.done $0x0  }
0x1a2: {  	[sflag:s22] =	ssyncadd.s32 $0xFFFFFC00  }
0x1a3: {  	_ =	swait.ge [sflag:s22], $0x400  }
0x1a4: {  	[sflag:s22] =	ssyncset.done $0x0  }
0x1a5: {  	[sflag:s22] =	ssyncadd.s32 $0xFFFFFC00  }
0x1a6: {  	_ =	swait.ge [sflag:s22], $0x400  }
0x1a7: {  	[sflag:s22] =	ssyncset.done $0x0  }
0x1a8: {  	[sflag:s22] =	ssyncadd.s32 $0xFFFFFC00  }
0x1a9: {  	_ =	swait.ge [sflag:s22], $0x400  }
0x1aa: {  	[sflag:s22] =	ssyncset.done $0x0  }
0x1ab: {  	[sflag:s22] =	ssyncadd.s32 $0xFFFFFC00  }
0x1ac: {  	_ =	swait.ge [sflag:s22], $0x400  }
0x1ad: {  	[sflag:s22] =	ssyncset.done $0x0  }
0x1ae: {  	[sflag:s22] =	ssyncadd.s32 $0xFFFFFC00  }
0x1af: {  	_ =	swait.ge [sflag:s22], $0x400  }
0x1b0: {  	[sflag:s22] =	ssyncset.done $0x0  }
0x1b1: {  	[sflag:s22] =	ssyncadd.s32 $0xFFFFFC00  }
0x1b2: {  	_ =	swait.ge [sflag:s22], $0x400  }
0x1b3: {  	[sflag:s22] =	ssyncset.done $0x0  }
0x1b4: {  	[sflag:s22] =	ssyncadd.s32 $0xFFFFFC00  }
0x1b5: {  	_ =	swait.ge [sflag:s22], $0x400  }
0x1b6: {  	[sflag:s22] =	ssyncset.done $0x0  }
0x1b7: {  	[sflag:s22] =	ssyncadd.s32 $0xFFFFFC00  }
0x1b8: {  	_ =	swait.ge [sflag:s22], $0x400  }
0x1b9: {  	[sflag:s22] =	ssyncset.done $0x0  }
0x1ba: {  	[sflag:s22] =	ssyncadd.s32 $0xFFFFFC00  }
0x1bb: {  	_ =	swait.ge [sflag:s22], $0x400  }
0x1bc: {  	[sflag:s22] =	ssyncset.done $0x0  }
0x1bd: {  	[sflag:s22] =	ssyncadd.s32 $0xFFFFFC00  }
0x1be: {  	_ =	swait.ge [sflag:s22], $0x400  }
0x1bf: {  	[sflag:s22] =	ssyncset.done $0x0  }
0x1c0: {  	[sflag:s22] =	ssyncadd.s32 $0xFFFFFC00  }
0x1c1: {  	_ =	swait.ge [sflag:s22], $0x400  }
0x1c2: {  	[sflag:s22] =	ssyncset.done $0x0  }
0x1c3: {  	[sflag:s22] =	ssyncadd.s32 $0xFFFFFC00  }
0x1c4: {  	_ =	swait.ge [sflag:s22], $0x400  }
0x1c5: {  	[sflag:s22] =	ssyncset.done $0x0  }
0x1c6: {  	[sflag:s22] =	ssyncadd.s32 $0xFFFFFC00  }
0x1c7: {  	_ =	swait.ge [sflag:s22], $0x400  }
0x1c8: {  	[sflag:s22] =	ssyncset.done $0x0  }
0x1c9: {  	[sflag:s22] =	ssyncadd.s32 $0xFFFFFC00  }
0x1ca: {  	_ =	swait.ge [sflag:s22], $0x400  }
0x1cb: {  	[sflag:s22] =	ssyncset.done $0x0  }
0x1cc: {  	[sflag:s22] =	ssyncadd.s32 $0xFFFFFC00  }
0x1cd: {  	_ =	swait.ge [sflag:s22], $0x400  }
0x1ce: {  	[sflag:s22] =	ssyncset.done $0x0  }
0x1cf: {  	[sflag:s22] =	ssyncadd.s32 $0xFFFFFC00  }
0x1d0: {  	_ =	swait.ge [sflag:s22], $0x400  }
0x1d1: {  	[sflag:s22] =	ssyncset.done $0x0  }
0x1d2: {  	[sflag:s22] =	ssyncadd.s32 $0xFFFFFC00  }
0x1d3: {  	_ =	swait.ge [sflag:s22], $0x400  }
0x1d4: {  	[sflag:s22] =	ssyncset.done $0x0  }
0x1d5: {  	[sflag:s22] =	ssyncadd.s32 $0xFFFFFC00  }
0x1d6: {  	_ =	swait.ge [sflag:s22], $0x400  }
0x1d7: {  	[sflag:s22] =	ssyncset.done $0x0  }
0x1d8: {  	[sflag:s22] =	ssyncadd.s32 $0xFFFFFC00  }
0x1d9: {  	_ =	swait.ge [sflag:s22], $0x400  }
0x1da: {  	[sflag:s22] =	ssyncset.done $0x0  }
0x1db: {  	[sflag:s22] =	ssyncadd.s32 $0xFFFFFC00  }
0x1dc: {  	_ =	swait.ge [sflag:s22], $0x400  }
0x1dd: {  	[sflag:s22] =	ssyncset.done $0x0  }
0x1de: {  	[sflag:s22] =	ssyncadd.s32 $0xFFFFFC00  }
0x1df: {  	_ =	swait.ge [sflag:s22], $0x400  }
0x1e0: {  	[sflag:s22] =	ssyncset.done $0x0  }
0x1e1: {  	[sflag:s22] =	ssyncadd.s32 $0xFFFFFC00  }
0x1e2: {  	_ =	swait.ge [sflag:s22], $0x400  }
0x1e3: {  	s29 =	simm.s32 $0x0;
	[sflag:s22] =	ssyncset.done $0x0  }
0x1e4: {  	s0 =	simm.s32 $0x9080;
	s8 =	simm.s32 $0x11000;
	[sflag:s22] =	ssyncadd.s32 $0xFFFFFC00  }
.LBB2_19:
0x1e5: {  	s7 =	sshll.u32 s29, $0x5  }
0x1e6: {  	v3 =	vmov s7  }
0x1e7: {  	v4 =	vmul.u32 $0x88, v3;
	v3 =	vmov s0;
	_ =	sdelay $0x1  }
0x1e8: {  	v5 =	vbroadcast v4, $0x0;
	_ =	sdelay $0x1  }
0x1e9: {  	v6 =	vimm.s32 $0x0;
	s31 =	simm.s32 $0x0;
	v4 =	vadd.s32 v0, v5  }
0x1ea: {  	v7 =	vld.idx.msk [tilespmem:v3+s31+$0xFFFFFF80 ss:$0x1], $0xffff;
	v8 =	vadd.s32 v6, v4;
	_ =	sdelay $0x4  }
0x1eb: {  	v5 =	vadd.s32 v2, v5;
	[tilespmem:v8+s20+$0x0] =	vst.idx.msk $0xffff, v7  }
0x1ec: {  	v9 =	vadd.s32 v6, v5;
	v7 =	vld.idx.msk [tilespmem:v3+s31+$0xFFFFFF90 ss:$0x1], $0xffff;
	_ =	sdelay $0x4  }
0x1ed: {  	[tilespmem:v9+s20+$0x0] =	vst.idx.msk $0xffff, v7  }
0x1ee: {  	v10 =	vor.u32 $0x1, v8;
	v7 =	vld.idx.msk [tilespmem:v3+s31+$0xFFFFFFA0 ss:$0x1], $0xffff;
	_ =	sdelay $0x4  }
0x1ef: {  	[tilespmem:v10+s20+$0x0] =	vst.idx.msk $0xffff, v7  }
0x1f0: {  	v53 =	vor.u32 $0x1, v9;
	v7 =	vld.idx.msk [tilespmem:v3+s31+$0xFFFFFFB0 ss:$0x1], $0xffff;
	_ =	sdelay $0x4  }
0x1f1: {  	[tilespmem:v53+s20+$0x0] =	vst.idx.msk $0xffff, v7  }
0x1f2: {  	v54 =	vor.u32 $0x2, v8;
	v7 =	vld.idx.msk [tilespmem:v3+s31+$0xFFFFFFC0 ss:$0x1], $0xffff;
	_ =	sdelay $0x4  }
0x1f3: {  	[tilespmem:v54+s20+$0x0] =	vst.idx.msk $0xffff, v7  }
0x1f4: {  	v55 =	vor.u32 $0x2, v9;
	v7 =	vld.idx.msk [tilespmem:v3+s31+$0xFFFFFFD0 ss:$0x1], $0xffff;
	_ =	sdelay $0x4  }
0x1f5: {  	[tilespmem:v55+s20+$0x0] =	vst.idx.msk $0xffff, v7  }
0x1f6: {  	v56 =	vor.u32 $0x3, v8;
	v7 =	vld.idx.msk [tilespmem:v3+s31+$0xFFFFFFE0 ss:$0x1], $0xffff;
	_ =	sdelay $0x4  }
0x1f7: {  	[tilespmem:v56+s20+$0x0] =	vst.idx.msk $0xffff, v7  }
0x1f8: {  	v57 =	vor.u32 $0x3, v9;
	v7 =	vld.idx.msk [tilespmem:v3+s31+$0xFFFFFFF0 ss:$0x1], $0xffff;
	_ =	sdelay $0x4  }
0x1f9: {  	[tilespmem:v57+s20+$0x0] =	vst.idx.msk $0xffff, v7  }
0x1fa: {  	v58 =	vor.u32 $0x4, v8;
	v7 =	vld.idx.msk [tilespmem:v3+s31+$0x0 ss:$0x1], $0xffff;
	_ =	sdelay $0x4  }
0x1fb: {  	[tilespmem:v58+s20+$0x0] =	vst.idx.msk $0xffff, v7  }
0x1fc: {  	v59 =	vor.u32 $0x4, v9;
	v7 =	vld.idx.msk [tilespmem:v3+s31+$0x10 ss:$0x1], $0xffff;
	_ =	sdelay $0x4  }
0x1fd: {  	[tilespmem:v59+s20+$0x0] =	vst.idx.msk $0xffff, v7  }
0x1fe: {  	v60 =	vor.u32 $0x5, v8;
	v7 =	vld.idx.msk [tilespmem:v3+s31+$0x20 ss:$0x1], $0xffff;
	_ =	sdelay $0x4  }
0x1ff: {  	[tilespmem:v60+s20+$0x0] =	vst.idx.msk $0xffff, v7  }
0x200: {  	v61 =	vor.u32 $0x5, v9;
	v7 =	vld.idx.msk [tilespmem:v3+s31+$0x30 ss:$0x1], $0xffff;
	_ =	sdelay $0x4  }
0x201: {  	[tilespmem:v61+s20+$0x0] =	vst.idx.msk $0xffff, v7  }
0x202: {  	v62 =	vor.u32 $0x6, v8;
	v7 =	vld.idx.msk [tilespmem:v3+s31+$0x40 ss:$0x1], $0xffff;
	_ =	sdelay $0x4  }
0x203: {  	[tilespmem:v62+s20+$0x0] =	vst.idx.msk $0xffff, v7  }
0x204: {  	v63 =	vor.u32 $0x6, v9;
	v7 =	vld.idx.msk [tilespmem:v3+s31+$0x50 ss:$0x1], $0xffff;
	_ =	sdelay $0x4  }
0x205: {  	[tilespmem:v63+s20+$0x0] =	vst.idx.msk $0xffff, v7  }
0x206: {  	v8 =	vor.u32 $0x7, v8;
	v7 =	vld.idx.msk [tilespmem:v3+s31+$0x60 ss:$0x1], $0xffff;
	_ =	sdelay $0x4  }
0x207: {  	[tilespmem:v8+s20+$0x0] =	vst.idx.msk $0xffff, v7  }
0x208: {  	v8 =	vor.u32 $0x7, v9;
	v7 =	vld.idx.msk [tilespmem:v3+s31+$0x70 ss:$0x1], $0xffff;
	_ =	sdelay $0x4  }
0x209: {  	s9 =	simm.s32 $0x100;
	s10 =	simm.s32 $0x800;
	[tilespmem:v8+s20+$0x0] =	vst.idx.msk $0xffff, v7  }
.LBB2_20:
0x20a: {  	p2 =	sne.s32 s10, $0x3C00;
	v8 =	vld.idx.msk [tilespmem:v3+s9+$0xFFFFFF80 ss:$0x1], $0xffff;
	v6 =	vadd.s32 $0x8, v6  }
0x20b: {  	v7 =	vadd.s32 v6, v4;
	_ =	sdelay $0x4  }
0x20c: {  	[tilespmem:v7+s20+$0x0] =	vst.idx.msk $0xffff, v8  }
0x20d: {  	v9 =	vld.idx.msk [tilespmem:v3+s9+$0xFFFFFF90 ss:$0x1], $0xffff  }
0x20e: {  	v8 =	vadd.s32 v6, v5;
	_ =	sdelay $0x4  }
0x20f: {  	[tilespmem:v8+s20+$0x0] =	vst.idx.msk $0xffff, v9  }
0x210: {  	v9 =	vld.idx.msk [tilespmem:v3+s9+$0xFFFFFFA0 ss:$0x1], $0xffff  }
0x211: {  	v10 =	vor.u32 $0x1, v7;
	_ =	sdelay $0x4  }
0x212: {  	[tilespmem:v10+s20+$0x0] =	vst.idx.msk $0xffff, v9  }
0x213: {  	v9 =	vld.idx.msk [tilespmem:v3+s9+$0xFFFFFFB0 ss:$0x1], $0xffff  }
0x214: {  	v10 =	vor.u32 $0x1, v8;
	_ =	sdelay $0x4  }
0x215: {  	[tilespmem:v10+s20+$0x0] =	vst.idx.msk $0xffff, v9  }
0x216: {  	v9 =	vld.idx.msk [tilespmem:v3+s9+$0xFFFFFFC0 ss:$0x1], $0xffff  }
0x217: {  	v10 =	vor.u32 $0x2, v7;
	_ =	sdelay $0x4  }
0x218: {  	[tilespmem:v10+s20+$0x0] =	vst.idx.msk $0xffff, v9  }
0x219: {  	v9 =	vld.idx.msk [tilespmem:v3+s9+$0xFFFFFFD0 ss:$0x1], $0xffff  }
0x21a: {  	v10 =	vor.u32 $0x2, v8;
	_ =	sdelay $0x4  }
0x21b: {  	[tilespmem:v10+s20+$0x0] =	vst.idx.msk $0xffff, v9  }
0x21c: {  	v9 =	vld.idx.msk [tilespmem:v3+s9+$0xFFFFFFE0 ss:$0x1], $0xffff  }
0x21d: {  	v10 =	vor.u32 $0x3, v7;
	_ =	sdelay $0x4  }
0x21e: {  	[tilespmem:v10+s20+$0x0] =	vst.idx.msk $0xffff, v9  }
0x21f: {  	v9 =	vld.idx.msk [tilespmem:v3+s9+$0xFFFFFFF0 ss:$0x1], $0xffff  }
0x220: {  	v10 =	vor.u32 $0x3, v8;
	_ =	sdelay $0x4  }
0x221: {  	[tilespmem:v10+s20+$0x0] =	vst.idx.msk $0xffff, v9  }
0x222: {  	v9 =	vld.idx.msk [tilespmem:v3+s9+$0x0 ss:$0x1], $0xffff  }
0x223: {  	v10 =	vor.u32 $0x4, v7;
	_ =	sdelay $0x4  }
0x224: {  	[tilespmem:v10+s20+$0x0] =	vst.idx.msk $0xffff, v9  }
0x225: {  	v9 =	vld.idx.msk [tilespmem:v3+s9+$0x10 ss:$0x1], $0xffff  }
0x226: {  	v10 =	vor.u32 $0x4, v8;
	_ =	sdelay $0x4  }
0x227: {  	[tilespmem:v10+s20+$0x0] =	vst.idx.msk $0xffff, v9  }
0x228: {  	v9 =	vld.idx.msk [tilespmem:v3+s9+$0x20 ss:$0x1], $0xffff  }
0x229: {  	v10 =	vor.u32 $0x5, v7;
	_ =	sdelay $0x4  }
0x22a: {  	[tilespmem:v10+s20+$0x0] =	vst.idx.msk $0xffff, v9  }
0x22b: {  	v9 =	vld.idx.msk [tilespmem:v3+s9+$0x30 ss:$0x1], $0xffff  }
0x22c: {  	v10 =	vor.u32 $0x5, v8;
	_ =	sdelay $0x4  }
0x22d: {  	[tilespmem:v10+s20+$0x0] =	vst.idx.msk $0xffff, v9  }
0x22e: {  	v9 =	vld.idx.msk [tilespmem:v3+s9+$0x40 ss:$0x1], $0xffff  }
0x22f: {  	v10 =	vor.u32 $0x6, v7;
	_ =	sdelay $0x4  }
0x230: {  	[tilespmem:v10+s20+$0x0] =	vst.idx.msk $0xffff, v9  }
0x231: {  	v9 =	vld.idx.msk [tilespmem:v3+s9+$0x50 ss:$0x1], $0xffff  }
0x232: {  	v10 =	vor.u32 $0x6, v8;
	_ =	sdelay $0x4  }
0x233: {  	[tilespmem:v10+s20+$0x0] =	vst.idx.msk $0xffff, v9  }
0x234: {  	v9 =	vld.idx.msk [tilespmem:v3+s9+$0x60 ss:$0x1], $0xffff  }
0x235: {  	v7 =	vor.u32 $0x7, v7;
	_ =	sdelay $0x4  }
0x236: {  	[tilespmem:v7+s20+$0x0] =	vst.idx.msk $0xffff, v9  }
0x237: {  	v7 =	vld.idx.msk [tilespmem:v3+s9+$0x70 ss:$0x1], $0xffff  }
0x238: {  	v8 =	vor.u32 $0x7, v8  }
.Ltmp8:
0x239: {  	(pc) =	sbr.rel @p2 .LBB2_20-.Ltmp8, $2  }
0x23a: {  	_ =	sdelay $0x2  }
0x23b: {  	s9 =	sshra.s32 s10, $0x2;
	s10 =	sadd.s32 $0x400, s10;
	[tilespmem:v8+s20+$0x0] =	vst.idx.msk $0xffff, v7  }
0x23c: {  	_ =	sdelay $0x2  }
0x23d: {  	v6 =	vadd.s32 $0x8, v6  }
0x23e: {  	v7 =	vld.idx.msk [tilespmem:v3+s9+$0xFFFFFF80 ss:$0x1], $0xffff;
	v4 =	vadd.s32 v6, v4;
	_ =	sdelay $0x4  }
0x23f: {  	[tilespmem:v4+s20+$0x0] =	vst.idx.msk $0xffff, v7  }
0x240: {  	v5 =	vadd.s32 v6, v5;
	v7 =	vld.idx.msk [tilespmem:v3+s9+$0xFFFFFF90 ss:$0x1], $0xffff;
	_ =	sdelay $0x4  }
0x241: {  	[tilespmem:v5+s20+$0x0] =	vst.idx.msk $0xffff, v7  }
0x242: {  	v51 =	vor.u32 $0x1, v4;
	v50 =	vld.idx.msk [tilespmem:v3+s9+$0xFFFFFFA0 ss:$0x1], $0xffff;
	_ =	sdelay $0x4  }
0x243: {  	[tilespmem:v51+s20+$0x0] =	vst.idx.msk $0xffff, v50  }
0x244: {  	v52 =	vor.u32 $0x1, v5;
	v6 =	vld.idx.msk [tilespmem:v3+s9+$0xFFFFFFB0 ss:$0x1], $0xffff;
	_ =	sdelay $0x4  }
0x245: {  	[tilespmem:v52+s20+$0x0] =	vst.idx.msk $0xffff, v6  }
0x246: {  	v53 =	vor.u32 $0x2, v4;
	v6 =	vld.idx.msk [tilespmem:v3+s9+$0xFFFFFFC0 ss:$0x1], $0xffff;
	_ =	sdelay $0x4  }
0x247: {  	[tilespmem:v53+s20+$0x0] =	vst.idx.msk $0xffff, v6  }
0x248: {  	v54 =	vor.u32 $0x2, v5;
	v6 =	vld.idx.msk [tilespmem:v3+s9+$0xFFFFFFD0 ss:$0x1], $0xffff;
	_ =	sdelay $0x4  }
0x249: {  	[tilespmem:v54+s20+$0x0] =	vst.idx.msk $0xffff, v6  }
0x24a: {  	v55 =	vor.u32 $0x3, v4;
	v6 =	vld.idx.msk [tilespmem:v3+s9+$0xFFFFFFE0 ss:$0x1], $0xffff;
	_ =	sdelay $0x4  }
0x24b: {  	[tilespmem:v55+s20+$0x0] =	vst.idx.msk $0xffff, v6  }
0x24c: {  	v56 =	vor.u32 $0x3, v5;
	v6 =	vld.idx.msk [tilespmem:v3+s9+$0xFFFFFFF0 ss:$0x1], $0xffff;
	_ =	sdelay $0x4  }
0x24d: {  	[tilespmem:v56+s20+$0x0] =	vst.idx.msk $0xffff, v6  }
0x24e: {  	v57 =	vor.u32 $0x4, v4;
	v6 =	vld.idx.msk [tilespmem:v3+s9+$0x0 ss:$0x1], $0xffff;
	_ =	sdelay $0x4  }
0x24f: {  	[tilespmem:v57+s20+$0x0] =	vst.idx.msk $0xffff, v6  }
0x250: {  	v58 =	vor.u32 $0x4, v5;
	v6 =	vld.idx.msk [tilespmem:v3+s9+$0x10 ss:$0x1], $0xffff;
	_ =	sdelay $0x4  }
0x251: {  	[tilespmem:v58+s20+$0x0] =	vst.idx.msk $0xffff, v6  }
0x252: {  	v59 =	vor.u32 $0x5, v4;
	v6 =	vld.idx.msk [tilespmem:v3+s9+$0x20 ss:$0x1], $0xffff;
	_ =	sdelay $0x4  }
0x253: {  	[tilespmem:v59+s20+$0x0] =	vst.idx.msk $0xffff, v6  }
0x254: {  	v60 =	vor.u32 $0x5, v5;
	v6 =	vld.idx.msk [tilespmem:v3+s9+$0x30 ss:$0x1], $0xffff;
	_ =	sdelay $0x4  }
0x255: {  	[tilespmem:v60+s20+$0x0] =	vst.idx.msk $0xffff, v6  }
0x256: {  	v61 =	vor.u32 $0x6, v4;
	v6 =	vld.idx.msk [tilespmem:v3+s9+$0x40 ss:$0x1], $0xffff;
	_ =	sdelay $0x4  }
0x257: {  	[tilespmem:v61+s20+$0x0] =	vst.idx.msk $0xffff, v6  }
0x258: {  	v62 =	vor.u32 $0x6, v5;
	v6 =	vld.idx.msk [tilespmem:v3+s9+$0x50 ss:$0x1], $0xffff;
	_ =	sdelay $0x4  }
0x259: {  	[tilespmem:v62+s20+$0x0] =	vst.idx.msk $0xffff, v6  }
0x25a: {  	v4 =	vor.u32 $0x7, v4;
	v6 =	vld.idx.msk [tilespmem:v3+s9+$0x60 ss:$0x1], $0xffff;
	_ =	sdelay $0x4  }
0x25b: {  	[tilespmem:v4+s20+$0x0] =	vst.idx.msk $0xffff, v6  }
0x25c: {  	v63 =	vor.u32 $0x7, v5;
	v3 =	vld.idx.msk [tilespmem:v3+s9+$0x70 ss:$0x1], $0xffff;
	_ =	sdelay $0x4  }
0x25d: {  	s9 =	sadd.s32 $0x0, s8;
	[tilespmem:v63+s20+$0x0] =	vst.idx.msk $0xffff, v3  }
0x25e: {  	[hbm4b:s28+s3] =	stream.linear.scatter [tilespmem:s9], [sflag:$0x5], $0x80, $0x38;
	[tilespmem:$0x19800] =	vst v63  }
0x25f: {  	s10 =	sadd.s32 $0x10, s28;
	s7 =	sadd.s32 $0x88, s9  }
0x260: {  	[hbm4b:s10+s3] =	stream.linear.scatter [tilespmem:s7], [sflag:$0x5], $0x80, $0x38;
	[tilespmem:$0x19800] =	vst v63  }
0x261: {  	s23 =	sadd.s32 $0x20, s28;
	s31 =	sadd.s32 $0x30, s28;
	s18 =	sadd.s32 $0x110, s9  }
0x262: {  	[hbm4b:s23+s3] =	stream.linear.scatter [tilespmem:s18], [sflag:$0x5], $0x80, $0x38;
	[tilespmem:$0x19800] =	vst v63  }
0x263: {  	s15 =	sadd.s32 $0x40, s28;
	s30 =	sadd.s32 $0x198, s9;
	s10 =	sadd.s32 $0x220, s9  }
0x264: {  	[hbm4b:s31+s3] =	stream.linear.scatter [tilespmem:s30], [sflag:$0x5], $0x80, $0x38;
	[tilespmem:$0x19800] =	vst v63  }
0x265: {  	s7 =	simm.s32 $0x2200;
	s18 =	sadd.s32 $0x2A8, s9;
	s23 =	sadd.s32 $0x50, s28  }
0x266: {  	[hbm4b:s15+s3] =	stream.linear.scatter [tilespmem:s10], [sflag:$0x5], $0x80, $0x38;
	[tilespmem:$0x19800] =	vst v63  }
0x267: {  	s30 =	sadd.s32 $0x330, s9;
	s31 =	sadd.s32 $0x60, s28;
	s10 =	simm.s32 $0x440  }
0x268: {  	[hbm4b:s23+s3] =	stream.linear.scatter [tilespmem:s18], [sflag:$0x5], $0x80, $0x38;
	[tilespmem:$0x19800] =	vst v63  }
0x269: {  	s15 =	sadd.s32 $0x70, s28;
	s23 =	sadd.s32 $0x3B8, s9;
	s9 =	sadd.s32 $0x4000, s28  }
0x26a: {  	[hbm4b:s31+s3] =	stream.linear.scatter [tilespmem:s30], [sflag:$0x5], $0x80, $0x38;
	[tilespmem:$0x19800] =	vst v63  }
.LBB2_22:
0x26b: {  	[hbm4b:s15+s3] =	stream.linear.scatter [tilespmem:s23], [sflag:$0x5], $0x80, $0x38;
	[tilespmem:$0x19800] =	vst v63  }
0x26c: {  	s15 =	smov.u32 s7  }
0x26d: {  	s18 =	sadd.s32 $0x1100, s7;
	s23 =	sadd.s32 s10, s8;
	s10 =	sshra.s32 s15, $0x2  }
0x26e: {  	[hbm4b:s9+s3] =	stream.linear.scatter [tilespmem:s23], [sflag:$0x5], $0x80, $0x38;
	[tilespmem:$0x19800] =	vst v63  }
0x26f: {  	p2 =	sne.s32 s7, $0x3300;
	s7 =	sadd.s32 $0x88, s23;
	s15 =	sadd.s32 $0x10, s9  }
0x270: {  	[hbm4b:s15+s3] =	stream.linear.scatter [tilespmem:s7], [sflag:$0x5], $0x80, $0x38;
	[tilespmem:$0x19800] =	vst v63  }
0x271: {  	s7 =	sadd.s32 $0x110, s23;
	s15 =	sadd.s32 $0x20, s9  }
0x272: {  	[hbm4b:s15+s3] =	stream.linear.scatter [tilespmem:s7], [sflag:$0x5], $0x80, $0x38;
	[tilespmem:$0x19800] =	vst v63  }
0x273: {  	s7 =	sadd.s32 $0x198, s23;
	s15 =	sadd.s32 $0x30, s9  }
0x274: {  	[hbm4b:s15+s3] =	stream.linear.scatter [tilespmem:s7], [sflag:$0x5], $0x80, $0x38;
	[tilespmem:$0x19800] =	vst v63  }
0x275: {  	s7 =	sadd.s32 $0x220, s23;
	s15 =	sadd.s32 $0x40, s9  }
0x276: {  	[hbm4b:s15+s3] =	stream.linear.scatter [tilespmem:s7], [sflag:$0x5], $0x80, $0x38;
	[tilespmem:$0x19800] =	vst v63  }
.Ltmp9:
0x277: {  	s7 =	sadd.s32 $0x2A8, s23;
	s15 =	sadd.s32 $0x50, s9;
	(pc) =	sbr.rel @p2 .LBB2_22-.Ltmp9, $4  }
0x278: {  	[hbm4b:s15+s3] =	stream.linear.scatter [tilespmem:s7], [sflag:$0x5], $0x80, $0x38;
	[tilespmem:$0x19800] =	vst v63  }
0x279: {  	s7 =	sadd.s32 $0x330, s23;
	s15 =	sadd.s32 $0x60, s9;
	s23 =	sadd.s32 $0x3B8, s23  }
0x27a: {  	[hbm4b:s15+s3] =	stream.linear.scatter [tilespmem:s7], [sflag:$0x5], $0x80, $0x38;
	[tilespmem:$0x19800] =	vst v63  }
0x27b: {  	s15 =	sadd.s32 $0x70, s9;
	s9 =	sadd.s32 $0x4000, s9;
	s7 =	smov.u32 s18  }
0x27c: {  	[hbm4b:s15+s3] =	stream.linear.scatter [tilespmem:s23], [sflag:$0x5], $0x80, $0x38;
	[tilespmem:$0x19800] =	vst v63  }
0x27d: {  	s7 =	sadd.s32 s10, s8  }
0x27e: {  	[hbm4b:s9+s3] =	stream.linear.scatter [tilespmem:s7], [sflag:$0x5], $0x80, $0x38;
	[tilespmem:$0x19800] =	vst v63  }
0x27f: {  	s23 =	sadd.s32 $0x10, s9;
	s10 =	sadd.s32 $0x88, s7  }
0x280: {  	[hbm4b:s23+s3] =	stream.linear.scatter [tilespmem:s10], [sflag:$0x5], $0x80, $0x38;
	[tilespmem:$0x19800] =	vst v63  }
0x281: {  	s31 =	sadd.s32 $0x20, s9;
	s30 =	sadd.s32 $0x110, s7  }
0x282: {  	[hbm4b:s31+s3] =	stream.linear.scatter [tilespmem:s30], [sflag:$0x5], $0x80, $0x38;
	[tilespmem:$0x19800] =	vst v63  }
0x283: {  	s18 =	sadd.s32 $0x198, s7;
	s23 =	sadd.s32 $0x30, s9  }
0x284: {  	[hbm4b:s23+s3] =	stream.linear.scatter [tilespmem:s18], [sflag:$0x5], $0x80, $0x38;
	[tilespmem:$0x19800] =	vst v63  }
0x285: {  	s29 =	sadd.s32 $0x1, s29;
	s30 =	sadd.s32 $0x220, s7;
	s31 =	sadd.s32 $0x40, s9  }
0x286: {  	[hbm4b:s31+s3] =	stream.linear.scatter [tilespmem:s30], [sflag:$0x5], $0x80, $0x38;
	[tilespmem:$0x19800] =	vst v63  }
0x287: {  	s15 =	sadd.s32 $0x2A8, s7;
	p2 =	sne.s32 s29, $0x8;
	s18 =	sadd.s32 $0x50, s9  }
0x288: {  	[hbm4b:s18+s3] =	stream.linear.scatter [tilespmem:s15], [sflag:$0x5], $0x80, $0x38;
	[tilespmem:$0x19800] =	vst v63  }
.Ltmp10:
0x289: {  	s0 =	sadd.s32 $0x1000, s0;
	(pc) =	sbr.rel @p2 .LBB2_19-.Ltmp10, $4  }
0x28a: {  	s28 =	sadd.s32 $0x10000, s28;
	s23 =	sadd.s32 $0x330, s7;
	s30 =	sadd.s32 $0x60, s9  }
0x28b: {  	[hbm4b:s30+s3] =	stream.linear.scatter [tilespmem:s23], [sflag:$0x5], $0x80, $0x38;
	[tilespmem:$0x19800] =	vst v63  }
0x28c: {  	s8 =	sadd.s32 $0x1100, s8;
	s7 =	sadd.s32 $0x3B8, s7;
	s31 =	sadd.s32 $0x70, s9  }
0x28d: {  	[hbm4b:s31+s3] =	stream.linear.scatter [tilespmem:s7], [sflag:$0x5], $0x80, $0x38;
	[tilespmem:$0x19800] =	vst v63  }
0x28e: {  	s26 =	sadd.s32 $0x1, s26  }
0x28f: {  	p2 =	sne.s32 s26, $0x32  }
.Ltmp11:
0x290: {  	_ = 	snop;
	(pc) =	sbr.rel @p2 .LBB2_4-.Ltmp11, $2  }
0x291: {  	_ =	sdelay $0x2  }
0x292: {  	s25 =	sadd.s32 $0x200000, s25;
	p1 =	por !p1, !p1;
	s24 =	sadd.s32 $0x2, s24  }
0x293: {  	_ =	swait.ge [sflag:s22], $0x400  }
0x294: {  	[sflag:s22] =	ssyncset.done $0x0  }
0x295: {  	[sflag:s22] =	ssyncadd.s32 $0xFFFFFC00  }
0x296: {  	_ =	swait.ge [sflag:s22], $0x400  }
0x297: {  	[sflag:s22] =	ssyncset.done $0x0  }
0x298: {  	[sflag:s22] =	ssyncadd.s32 $0xFFFFFC00  }
0x299: {  	_ =	swait.ge [sflag:s22], $0x400  }
0x29a: {  	[sflag:s22] =	ssyncset.done $0x0  }
0x29b: {  	[sflag:s22] =	ssyncadd.s32 $0xFFFFFC00  }
0x29c: {  	_ =	swait.ge [sflag:s22], $0x400  }
0x29d: {  	[sflag:s22] =	ssyncset.done $0x0  }
0x29e: {  	[sflag:s22] =	ssyncadd.s32 $0xFFFFFC00  }
0x29f: {  	_ =	swait.ge [sflag:s22], $0x400  }
0x2a0: {  	[sflag:s22] =	ssyncset.done $0x0  }
0x2a1: {  	[sflag:s22] =	ssyncadd.s32 $0xFFFFFC00  }
0x2a2: {  	_ =	swait.ge [sflag:s22], $0x400  }
0x2a3: {  	[sflag:s22] =	ssyncset.done $0x0  }
0x2a4: {  	[sflag:s22] =	ssyncadd.s32 $0xFFFFFC00  }
0x2a5: {  	_ =	swait.ge [sflag:s22], $0x400  }
0x2a6: {  	[sflag:s22] =	ssyncset.done $0x0  }
0x2a7: {  	[sflag:s22] =	ssyncadd.s32 $0xFFFFFC00  }
0x2a8: {  	_ =	swait.ge [sflag:s22], $0x400  }
0x2a9: {  	[sflag:s22] =	ssyncset.done $0x0  }
0x2aa: {  	[sflag:s22] =	ssyncadd.s32 $0xFFFFFC00  }
0x2ab: {  	_ =	swait.ge [sflag:s22], $0x400  }
0x2ac: {  	[sflag:s22] =	ssyncset.done $0x0  }
0x2ad: {  	[sflag:s22] =	ssyncadd.s32 $0xFFFFFC00  }
0x2ae: {  	_ =	swait.ge [sflag:s22], $0x400  }
0x2af: {  	[sflag:s22] =	ssyncset.done $0x0  }
0x2b0: {  	[sflag:s22] =	ssyncadd.s32 $0xFFFFFC00  }
0x2b1: {  	_ =	swait.ge [sflag:s22], $0x400  }
0x2b2: {  	[sflag:s22] =	ssyncset.done $0x0  }
0x2b3: {  	[sflag:s22] =	ssyncadd.s32 $0xFFFFFC00  }
0x2b4: {  	_ =	swait.ge [sflag:s22], $0x400  }
0x2b5: {  	[sflag:s22] =	ssyncset.done $0x0  }
0x2b6: {  	[sflag:s22] =	ssyncadd.s32 $0xFFFFFC00  }
0x2b7: {  	_ =	swait.ge [sflag:s22], $0x400  }
0x2b8: {  	[sflag:s22] =	ssyncset.done $0x0  }
0x2b9: {  	[sflag:s22] =	ssyncadd.s32 $0xFFFFFC00  }
0x2ba: {  	_ =	swait.ge [sflag:s22], $0x400  }
0x2bb: {  	[sflag:s22] =	ssyncset.done $0x0  }
0x2bc: {  	[sflag:s22] =	ssyncadd.s32 $0xFFFFFC00  }
0x2bd: {  	_ =	swait.ge [sflag:s22], $0x400  }
0x2be: {  	[sflag:s22] =	ssyncset.done $0x0  }
0x2bf: {  	[sflag:s22] =	ssyncadd.s32 $0xFFFFFC00  }
0x2c0: {  	_ =	swait.ge [sflag:s22], $0x400  }
0x2c1: {  	[sflag:s22] =	ssyncset.done $0x0  }
0x2c2: {  	[sflag:s22] =	ssyncadd.s32 $0xFFFFFC00  }
0x2c3: {  	_ =	swait.ge [sflag:s22], $0x400  }
0x2c4: {  	[sflag:s22] =	ssyncset.done $0x0  }
0x2c5: {  	[sflag:s22] =	ssyncadd.s32 $0xFFFFFC00  }
0x2c6: {  	_ =	swait.ge [sflag:s22], $0x400  }
0x2c7: {  	[sflag:s22] =	ssyncset.done $0x0  }
0x2c8: {  	[sflag:s22] =	ssyncadd.s32 $0xFFFFFC00  }
0x2c9: {  	_ =	swait.ge [sflag:s22], $0x400  }
0x2ca: {  	[sflag:s22] =	ssyncset.done $0x0  }
0x2cb: {  	[sflag:s22] =	ssyncadd.s32 $0xFFFFFC00  }
0x2cc: {  	_ =	swait.ge [sflag:s22], $0x400  }
0x2cd: {  	[sflag:s22] =	ssyncset.done $0x0  }
0x2ce: {  	[sflag:s22] =	ssyncadd.s32 $0xFFFFFC00  }
0x2cf: {  	_ =	swait.ge [sflag:s22], $0x400  }
0x2d0: {  	[sflag:s22] =	ssyncset.done $0x0  }
0x2d1: {  	[sflag:s22] =	ssyncadd.s32 $0xFFFFFC00  }
0x2d2: {  	_ =	swait.ge [sflag:s22], $0x400  }
0x2d3: {  	[sflag:s22] =	ssyncset.done $0x0  }
0x2d4: {  	[sflag:s22] =	ssyncadd.s32 $0xFFFFFC00  }
0x2d5: {  	_ =	swait.ge [sflag:s22], $0x400  }
0x2d6: {  	[sflag:s22] =	ssyncset.done $0x0  }
0x2d7: {  	[sflag:s22] =	ssyncadd.s32 $0xFFFFFC00  }
0x2d8: {  	_ =	swait.ge [sflag:s22], $0x400  }
0x2d9: {  	[sflag:s22] =	ssyncset.done $0x0  }
0x2da: {  	[sflag:s22] =	ssyncadd.s32 $0xFFFFFC00  }
0x2db: {  	_ =	swait.ge [sflag:s22], $0x400  }
0x2dc: {  	[sflag:s22] =	ssyncset.done $0x0  }
0x2dd: {  	[sflag:s22] =	ssyncadd.s32 $0xFFFFFC00  }
0x2de: {  	_ =	swait.ge [sflag:s22], $0x400  }
0x2df: {  	[sflag:s22] =	ssyncset.done $0x0  }
0x2e0: {  	[sflag:s22] =	ssyncadd.s32 $0xFFFFFC00  }
0x2e1: {  	_ =	swait.ge [sflag:s22], $0x400  }
0x2e2: {  	[sflag:s22] =	ssyncset.done $0x0  }
0x2e3: {  	[sflag:s22] =	ssyncadd.s32 $0xFFFFFC00  }
0x2e4: {  	_ =	swait.ge [sflag:s22], $0x400  }
0x2e5: {  	[sflag:s22] =	ssyncset.done $0x0  }
0x2e6: {  	[sflag:s22] =	ssyncadd.s32 $0xFFFFFC00  }
0x2e7: {  	_ =	swait.ge [sflag:s22], $0x400  }
0x2e8: {  	[sflag:s22] =	ssyncset.done $0x0  }
0x2e9: {  	[sflag:s22] =	ssyncadd.s32 $0xFFFFFC00  }
0x2ea: {  	_ =	swait.ge [sflag:s22], $0x400  }
0x2eb: {  	[sflag:s22] =	ssyncset.done $0x0  }
0x2ec: {  	[sflag:s22] =	ssyncadd.s32 $0xFFFFFC00  }
0x2ed: {  	_ =	swait.ge [sflag:s22], $0x400  }
0x2ee: {  	[sflag:s22] =	ssyncset.done $0x0  }
0x2ef: {  	[sflag:s22] =	ssyncadd.s32 $0xFFFFFC00  }
0x2f0: {  	_ =	swait.ge [sflag:s22], $0x400  }
0x2f1: {  	s7 =	rddreg [dreg:$0x8]  }
0x2f2: {  	s0 =	rddreg [dreg:$0x7];
	s7 =	sadd.s32 $0x1, s7  }
0x2f3: {  	p1 =	sne.s32 s7, s0  }
.Ltmp12:
0x2f4: {  	_ = 	snop;
	(pc) =	sbr.rel @p1 .LBB2_1-.Ltmp12, $3  }
0x2f5: {  	_ =	sdelay $0x1  }
0x2f6: {  	[sflag:s22] =	ssyncset.done $0x0  }
0x2f7: {  	[sflag:s22] =	ssyncadd.s32 $0xFFFFFC00  }
0x2f8: {  	_ =	sfence.sel $0x180000  }
0x2f9: {  	[bflag:$0x0] =	sbarrier.arrive $0xFFFF  }
0x2fa: {  	_ =	strace $0x90000047  }
0x2fb: {  	[bflag:$0x2] =	sbarrier.arrive $0xFFFF  }
0x2fc: {  	s0 =	rddreg [dreg:$0x3]  }
0x2fd: {  	s0 =	sadd.s32 @!p0 $0x100000, s0  }
0x2fe: {  	[sflag:s0] =	ssyncadd.tile.s32 @!p0 $0x1;
	_ =	shalt  }
.Lfunc_end2:
_tile_overlayer_lowered:
.L_overlay_start_2:
0x2ff: {  	(tag) =	ssettag $0x2  }
0x300: {  	s0 =	rddreg [dreg:$0x0];
	s2 =	stileid.u32  }
0x301: {  	s1 =	rddreg [dreg:$0x1];
	p0 =	sne.s32 s2, $0x0  }
0x302: {  	s3 =	rddreg [dreg:$0x2];
	[bflag:$0x3] =	sbarrier.arrive $0xFFFF;
	s2 =	simm.s32 @!p0 $0x1C06  }
0x303: {  	[timem:s3], [sflag:s2] =	dma.local @!p0 [hbm:s0], s1  }
0x304: {  	s0 =	simm.s32 @!p0 $0x6  }
0x305: {  	_ =	swait.ge @!p0 [sflag:s0], s1  }
0x306: {  	s1 =	ssub.s32 @!p0 $0x0, s1;
	[sflag:s0] =	ssyncset.done @!p0 $0x0  }
0x307: {  	[sflag:s0] =	ssyncadd.s32 @!p0 s1  }
0x308: {  	[bflag:$0x3] =	sbarrier.arrive $0xFFFF  }
0x309: {  	_ =	shalt  }

</sc_bundles>
